<compile_context>
chip_gen: v7x
topology: tpu7x:2x2x1
jax: 0.10.2.dev20260603
libtpu: 0.0.44.dev20260713+nightly
codegen_flags: <defaults>
</compile_context>

<pallas_src>
import jax
import jax.numpy as jnp
from jax.experimental import pallas as pl

_B = 1024
_BB = 8
_H = 8
_K = 256
_E = 200
_V = 256
_TOPK = 32
_ROWS = _BB * _H


def _dnd_body(state_ref, lat_ref, keys_ref, vals_ref,
              wse, bse, wc1, bc1, wc2, bc2, wq, bq,
              wagg, bagg, wk1, bk1, wk2, bk2, wv1, bv1, wv2, bv2,
              mk_ref, mv_ref):
    f32 = jnp.float32

    def dot(a, b):
        return jax.lax.dot_general(a, b, (((1,), (0,)), ((), ())),
                                   preferred_element_type=f32)

    s = dot(state_ref[...], wse[...]) + bse[...]
    qc = jnp.concatenate([s, lat_ref[...]], axis=1)
    qc = dot(qc, wc1[...]) + bc1[...]
    qc = dot(qc, wc2[...]) + bc2[...]
    q_heads = [dot(qc, wq[:, _K * h:_K * (h + 1)]) + bq[:, _K * h:_K * (h + 1)]
               for h in range(_H)]

    qstack = jnp.concatenate(q_heads, axis=0)
    row_b = jax.lax.broadcasted_iota(jnp.int32, (_ROWS, 1), 0) % _BB
    qbd = jnp.concatenate(
        [jnp.where(row_b == i, qstack, 0.0) for i in range(_BB)],
        axis=1)
    sim = jax.lax.dot_general(qbd, keys_ref[...], (((1,), (1,)), ((), ())),
                              preferred_element_type=f32)
    sim = sim * (1.0 / 16.0)

    ub = jax.lax.bitcast_convert_type(sim, jnp.uint32)
    u = jnp.where(ub >= jnp.uint32(0x80000000), ~ub,
                  ub | jnp.uint32(0x80000000))
    def cntf(ge):
        return jnp.sum(jnp.where(ge, 1.0, 0.0), axis=1, keepdims=True)

    kth = float(_TOPK) - 0.5
    prefix = jnp.zeros((_ROWS, 1), jnp.uint32)
    for st in range(16):
        sh = 30 - 2 * st
        chi = prefix | jnp.uint32(2 << sh)
        clo = prefix | jnp.uint32(1 << sh)
        cboth = prefix | jnp.uint32(3 << sh)
        nhi = cntf(u >= chi)
        nlo = cntf(u >= clo)
        nboth = cntf(u >= cboth)
        prefix = jnp.where(nhi >= kth,
                           jnp.where(nboth >= kth, cboth, chi),
                           jnp.where(nlo >= kth, clo, prefix))
    thr = prefix

    gt = u > thr
    need = float(_TOPK) - cntf(gt)
    eq = u == thr
    ri = jax.lax.broadcasted_iota(jnp.int32, (_E, _E), 0)
    ci = jax.lax.broadcasted_iota(jnp.int32, (_E, _E), 1)
    ltri = (ri < ci).astype(f32)
    excl = dot(eq.astype(f32), ltri)
    mask = gt | (eq & (excl < need))

    m = jnp.max(sim, axis=1, keepdims=True)
    p = jnp.where(mask, jnp.exp(sim - m), 0.0)
    w = p / jnp.sum(p, axis=1, keepdims=True)

    r_bd = dot(w, vals_ref[...])
    r_all = jnp.zeros((_ROWS, _V), f32)
    for i in range(_BB):
        r_all = jnp.where(row_b == i, r_bd[:, _V * i:_V * (i + 1)], r_all)

    acc = bagg[...]
    for h in range(_H):
        acc = acc + dot(r_all[_BB * h:_BB * (h + 1), :],
                        wagg[_V * h:_V * (h + 1), :])

    mk = dot(dot(acc, wk1[...]) + bk1[...], wk2[...]) + bk2[...]
    mv = dot(dot(acc, wv1[...]) + bv1[...], wv2[...]) + bv2[...]
    mk_ref[...] = mk
    mv_ref[...] = mv


def kernel(state, task_inference_latent, mem_keys, mem_vals, params):
    f32 = jnp.float32
    wse = params["state_encoder"][0]["w"]
    c1, c2 = params["concat_query_encoder"]
    qe = params["query_encoder"][0]
    agg = params["value_aggregator"][0]
    k1, k2 = params["read_memory_to_key"]
    v1, v2 = params["read_memory_to_value"]

    def bb(b):
        return jnp.broadcast_to(b.astype(f32), (_BB, b.shape[0]))

    grid = _B // _BB
    full = lambda a: pl.BlockSpec(a.shape, lambda i: (0,) * a.ndim)
    in_specs = [
        pl.BlockSpec((_BB, state.shape[1]), lambda i: (i, 0)),
        pl.BlockSpec((_BB, task_inference_latent.shape[1]), lambda i: (i, 0)),
        pl.BlockSpec((_E, _BB * _K), lambda i: (0, i)),
        pl.BlockSpec((_E, _BB * _V), lambda i: (0, i)),
    ]
    weights = []
    for wmat, bvec in ((wse, params["state_encoder"][0]["b"]),
                       (c1["w"], c1["b"]), (c2["w"], c2["b"]),
                       (qe["w"], qe["b"]), (agg["w"], agg["b"]),
                       (k1["w"], k1["b"]), (k2["w"], k2["b"]),
                       (v1["w"], v1["b"]), (v2["w"], v2["b"])):
        weights.append(wmat.astype(f32))
        weights.append(bb(bvec))
    in_specs += [full(a) for a in weights]

    out_shape = (jax.ShapeDtypeStruct((_B, k2["w"].shape[1]), f32),
                 jax.ShapeDtypeStruct((_B, v2["w"].shape[1]), f32))
    out_specs = (pl.BlockSpec((_BB, k2["w"].shape[1]), lambda i: (i, 0)),
                 pl.BlockSpec((_BB, v2["w"].shape[1]), lambda i: (i, 0)))

    mk, mv = pl.pallas_call(
        _dnd_body,
        grid=(grid,),
        in_specs=in_specs,
        out_specs=out_specs,
        out_shape=out_shape,
    )(state, task_inference_latent,
      mem_keys.reshape(_E, _B * _K), mem_vals.reshape(_E, _B * _V), *weights)
    return mk, mv

# --- scband reference (transcript-rebuilt; emitter-appended) ---
"""Pipeline reference for scband-dnd-30631706755224 (READ-ONLY COPY).

The authoritative reference and input builder live on the scoring server;
editing this copy changes nothing except your own understanding.
"""

import jax, jax.numpy as jnp
import numpy as np

NUM_HEAD = 8
KEY_SIZE = 256
VALUE_SIZE = 256
EP_LEN = 200
BATCH = 1024
MEM_EMB = 128
STATE_DIM = 256
LATENT = KEY_SIZE - MEM_EMB  # 128
RIM_Q = 256
TOP_K = 32


def _linear(key, din, dout):
    k1, k2 = jax.random.split(key)
    s = 1.0 / np.sqrt(din)
    return {"w": jax.random.uniform(k1, (din, dout), jnp.float32, -s, s),
            "b": jax.random.uniform(k2, (dout,), jnp.float32, -s, s)}


def _mlp(layers, x):
    # faithful to torch: stacked nn.Linear with NO nonlinearity in between
    for p in layers:
        x = x @ p["w"] + p["b"]
    return x


def setup_inputs(seed: int = 0) -> dict:
    key = jax.random.key(seed)
    ks = jax.random.split(key, 16)
    state = jax.random.normal(ks[0], (BATCH, STATE_DIM), jnp.float32)
    task_inference_latent = jax.random.normal(ks[1], (BATCH, LATENT), jnp.float32)
    # episodic memory buffers (self.exploration_keys / self.exploration_vals)
    mem_keys = jax.random.normal(ks[2], (EP_LEN, BATCH, KEY_SIZE), jnp.float32)
    mem_vals = jax.random.normal(ks[3], (EP_LEN, BATCH, VALUE_SIZE), jnp.float32)
    params = {
        "state_encoder": [_linear(ks[4], STATE_DIM, MEM_EMB)],
        "concat_query_encoder": [_linear(ks[5], KEY_SIZE, 256), _linear(ks[6], 256, KEY_SIZE)],
        "query_encoder": [_linear(ks[7], KEY_SIZE, NUM_HEAD * KEY_SIZE)],
        "value_aggregator": [_linear(ks[8], NUM_HEAD * VALUE_SIZE, VALUE_SIZE)],
        "read_memory_to_key": [_linear(ks[9], VALUE_SIZE, 256), _linear(ks[10], 256, RIM_Q)],
        "read_memory_to_value": [_linear(ks[11], VALUE_SIZE, 256), _linear(ks[12], 256, VALUE_SIZE)],
    }
    return {"state": state, "task_inference_latent": task_inference_latent,
            "mem_keys": mem_keys, "mem_vals": mem_vals, "params": params}


def reference(state, task_inference_latent, mem_keys, mem_vals, params):
    # DND.read (exploration branch)
    s = _mlp(params["state_encoder"], state)                       # [B, MEM_EMB]
    q = jnp.concatenate([s, task_inference_latent], axis=-1)       # [B, KEY_SIZE]
    q = _mlp(params["concat_query_encoder"], q)                    # [B, KEY_SIZE]
    q = _mlp(params["query_encoder"], q)                           # [B, H*KEY_SIZE]
    q = q.reshape(BATCH, NUM_HEAD, KEY_SIZE)
    # per-env similarity against episodic memory: [B, H, EP_LEN]
    sim = jnp.einsum('bhk,ebk->bhe', q, mem_keys) / jnp.sqrt(KEY_SIZE)
    top_vals, top_idx = jax.lax.top_k(sim, TOP_K)                  # [B, H, K]
    w = jax.nn.softmax(top_vals, axis=-1)                          # [B, H, K]
    vals_bev = jnp.transpose(mem_vals, (1, 0, 2))                  # [B, EP_LEN, V]
    gathered = jax.vmap(lambda v, i: v[i])(vals_bev, top_idx)      # [B, H, K, V]
    read = jnp.sum(w[..., None] * gathered, axis=2)                # [B, H, V]
    read = _mlp(params["value_aggregator"], read.reshape(BATCH, NUM_HEAD * VALUE_SIZE))  # [B, V]
    memory_key = _mlp(params["read_memory_to_key"], read)          # [B, RIM_Q]
    memory_value = _mlp(params["read_memory_to_value"], read)      # [B, V]
    return memory_key, memory_value

if __name__ == "__main__":
    import jax
    _d = setup_inputs()
    print(jax.jit(kernel)(*tuple(_d.values())))

</pallas_src>

<mosaic_0001>
module attributes {stable_mosaic.version = 14 : i64} {
  func.func @_dnd_body(%arg0: i32, %arg1: memref<8x256xf32, #tpu.memory_space<vmem>>, %arg2: memref<8x128xf32, #tpu.memory_space<vmem>>, %arg3: memref<200x2048xf32, #tpu.memory_space<vmem>>, %arg4: memref<200x2048xf32, #tpu.memory_space<vmem>>, %arg5: memref<256x128xf32, #tpu.memory_space<vmem>>, %arg6: memref<8x128xf32, #tpu.memory_space<vmem>>, %arg7: memref<256x256xf32, #tpu.memory_space<vmem>>, %arg8: memref<8x256xf32, #tpu.memory_space<vmem>>, %arg9: memref<256x256xf32, #tpu.memory_space<vmem>>, %arg10: memref<8x256xf32, #tpu.memory_space<vmem>>, %arg11: memref<256x2048xf32, #tpu.memory_space<vmem>>, %arg12: memref<8x2048xf32, #tpu.memory_space<vmem>>, %arg13: memref<2048x256xf32, #tpu.memory_space<vmem>>, %arg14: memref<8x256xf32, #tpu.memory_space<vmem>>, %arg15: memref<256x256xf32, #tpu.memory_space<vmem>>, %arg16: memref<8x256xf32, #tpu.memory_space<vmem>>, %arg17: memref<256x256xf32, #tpu.memory_space<vmem>>, %arg18: memref<8x256xf32, #tpu.memory_space<vmem>>, %arg19: memref<256x256xf32, #tpu.memory_space<vmem>>, %arg20: memref<8x256xf32, #tpu.memory_space<vmem>>, %arg21: memref<256x256xf32, #tpu.memory_space<vmem>>, %arg22: memref<8x256xf32, #tpu.memory_space<vmem>>, %arg23: memref<8x256xf32, #tpu.memory_space<vmem>>, %arg24: memref<8x256xf32, #tpu.memory_space<vmem>>) attributes {dimension_semantics = [#tpu.dimension_semantics<arbitrary>], iteration_bounds = array<i64: 128>, scalar_prefetch = 0 : i64, scratch_operands = 0 : i64, tpu.core_type = #tpu.core_type<tc>, window_params = [{transform_indices = @transform_0, window_bounds = array<i64: 8, 256>}, {transform_indices = @transform_1, window_bounds = array<i64: 8, 128>}, {transform_indices = @transform_2, window_bounds = array<i64: 200, 2048>}, {transform_indices = @transform_3, window_bounds = array<i64: 200, 2048>}, {pipeline_mode = #tpu.pipeline_mode<synchronous>, transform_indices = @transform_4, window_bounds = array<i64: 256, 128>}, {pipeline_mode = #tpu.pipeline_mode<synchronous>, transform_indices = @transform_5, window_bounds = array<i64: 8, 128>}, {pipeline_mode = #tpu.pipeline_mode<synchronous>, transform_indices = @transform_6, window_bounds = array<i64: 256, 256>}, {pipeline_mode = #tpu.pipeline_mode<synchronous>, transform_indices = @transform_7, window_bounds = array<i64: 8, 256>}, {pipeline_mode = #tpu.pipeline_mode<synchronous>, transform_indices = @transform_8, window_bounds = array<i64: 256, 256>}, {pipeline_mode = #tpu.pipeline_mode<synchronous>, transform_indices = @transform_9, window_bounds = array<i64: 8, 256>}, {pipeline_mode = #tpu.pipeline_mode<synchronous>, transform_indices = @transform_10, window_bounds = array<i64: 256, 2048>}, {pipeline_mode = #tpu.pipeline_mode<synchronous>, transform_indices = @transform_11, window_bounds = array<i64: 8, 2048>}, {pipeline_mode = #tpu.pipeline_mode<synchronous>, transform_indices = @transform_12, window_bounds = array<i64: 2048, 256>}, {pipeline_mode = #tpu.pipeline_mode<synchronous>, transform_indices = @transform_13, window_bounds = array<i64: 8, 256>}, {pipeline_mode = #tpu.pipeline_mode<synchronous>, transform_indices = @transform_14, window_bounds = array<i64: 256, 256>}, {pipeline_mode = #tpu.pipeline_mode<synchronous>, transform_indices = @transform_15, window_bounds = array<i64: 8, 256>}, {pipeline_mode = #tpu.pipeline_mode<synchronous>, transform_indices = @transform_16, window_bounds = array<i64: 256, 256>}, {pipeline_mode = #tpu.pipeline_mode<synchronous>, transform_indices = @transform_17, window_bounds = array<i64: 8, 256>}, {pipeline_mode = #tpu.pipeline_mode<synchronous>, transform_indices = @transform_18, window_bounds = array<i64: 256, 256>}, {pipeline_mode = #tpu.pipeline_mode<synchronous>, transform_indices = @transform_19, window_bounds = array<i64: 8, 256>}, {pipeline_mode = #tpu.pipeline_mode<synchronous>, transform_indices = @transform_20, window_bounds = array<i64: 256, 256>}, {pipeline_mode = #tpu.pipeline_mode<synchronous>, transform_indices = @transform_21, window_bounds = array<i64: 8, 256>}, {transform_indices = @transform_22, window_bounds = array<i64: 8, 256>}, {transform_indices = @transform_23, window_bounds = array<i64: 8, 256>}]} {
    %get3A = arith.constant 0 : index
    %get3A_0 = arith.constant 0 : index
    %get3A_1 = vector.load %arg1[%get3A, %get3A_0] : memref<8x256xf32, #tpu.memory_space<vmem>>, vector<8x256xf32>
    %get3A_2 = arith.constant 0 : index
    %get3A_3 = arith.constant 0 : index
    %get3A_4 = vector.load %arg5[%get3A_2, %get3A_3] : memref<256x128xf32, #tpu.memory_space<vmem>>, vector<256x128xf32>
    %dot_general3A = arith.constant dense<0.000000e+00> : vector<8x128xf32>
    %dot_general3A_5 = tpu.matmul %get3A_1, %get3A_4, %dot_general3A {dimension_numbers = #tpu.dot_dimension_numbers<[1], [0], [0], [1], [0, 0, 1, 1], [], []>, transpose_lhs_hint = false} : vector<8x256xf32>, vector<256x128xf32>, vector<8x128xf32> -> vector<8x128xf32>
    %get3A_6 = arith.constant 0 : index
    %get3A_7 = arith.constant 0 : index
    %get3A_8 = vector.load %arg6[%get3A_6, %get3A_7] : memref<8x128xf32, #tpu.memory_space<vmem>>, vector<8x128xf32>
    %add3A = arith.addf %dot_general3A_5, %get3A_8 : vector<8x128xf32>
    %get3A_9 = arith.constant 0 : index
    %get3A_10 = arith.constant 0 : index
    %get3A_11 = vector.load %arg2[%get3A_9, %get3A_10] : memref<8x128xf32, #tpu.memory_space<vmem>>, vector<8x128xf32>
    %concatenate3A = tpu.concatenate %add3A, %get3A_11 in 1 : vector<8x128xf32>, vector<8x128xf32> -> vector<8x256xf32>
    %get3A_12 = arith.constant 0 : index
    %get3A_13 = arith.constant 0 : index
    %get3A_14 = vector.load %arg7[%get3A_12, %get3A_13] : memref<256x256xf32, #tpu.memory_space<vmem>>, vector<256x256xf32>
    %dot_general3A_15 = arith.constant dense<0.000000e+00> : vector<8x256xf32>
    %dot_general3A_16 = tpu.matmul %concatenate3A, %get3A_14, %dot_general3A_15 {dimension_numbers = #tpu.dot_dimension_numbers<[1], [0], [0], [1], [0, 0, 1, 1], [], []>, transpose_lhs_hint = false} : vector<8x256xf32>, vector<256x256xf32>, vector<8x256xf32> -> vector<8x256xf32>
    %get3A_17 = arith.constant 0 : index
    %get3A_18 = arith.constant 0 : index
    %get3A_19 = vector.load %arg8[%get3A_17, %get3A_18] : memref<8x256xf32, #tpu.memory_space<vmem>>, vector<8x256xf32>
    %add3A_20 = arith.addf %dot_general3A_16, %get3A_19 : vector<8x256xf32>
    %get3A_21 = arith.constant 0 : index
    %get3A_22 = arith.constant 0 : index
    %get3A_23 = vector.load %arg9[%get3A_21, %get3A_22] : memref<256x256xf32, #tpu.memory_space<vmem>>, vector<256x256xf32>
    %dot_general3A_24 = arith.constant dense<0.000000e+00> : vector<8x256xf32>
    %dot_general3A_25 = tpu.matmul %add3A_20, %get3A_23, %dot_general3A_24 {dimension_numbers = #tpu.dot_dimension_numbers<[1], [0], [0], [1], [0, 0, 1, 1], [], []>, transpose_lhs_hint = false} : vector<8x256xf32>, vector<256x256xf32>, vector<8x256xf32> -> vector<8x256xf32>
    %get3A_26 = arith.constant 0 : index
    %get3A_27 = arith.constant 0 : index
    %get3A_28 = vector.load %arg10[%get3A_26, %get3A_27] : memref<8x256xf32, #tpu.memory_space<vmem>>, vector<8x256xf32>
    %add3A_29 = arith.addf %dot_general3A_25, %get3A_28 : vector<8x256xf32>
    %get3A_30 = arith.constant 0 : index
    %get3A_31 = arith.constant 0 : index
    %get3A_32 = vector.load %arg11[%get3A_30, %get3A_31] : memref<256x2048xf32, #tpu.memory_space<vmem>>, vector<256x256xf32>
    %dot_general3A_33 = arith.constant dense<0.000000e+00> : vector<8x256xf32>
    %dot_general3A_34 = tpu.matmul %add3A_29, %get3A_32, %dot_general3A_33 {dimension_numbers = #tpu.dot_dimension_numbers<[1], [0], [0], [1], [0, 0, 1, 1], [], []>, transpose_lhs_hint = false} : vector<8x256xf32>, vector<256x256xf32>, vector<8x256xf32> -> vector<8x256xf32>
    %get3A_35 = arith.constant 0 : index
    %get3A_36 = arith.constant 0 : index
    %get3A_37 = vector.load %arg12[%get3A_35, %get3A_36] : memref<8x2048xf32, #tpu.memory_space<vmem>>, vector<8x256xf32>
    %add3A_38 = arith.addf %dot_general3A_34, %get3A_37 : vector<8x256xf32>
    %get3A_39 = arith.constant 0 : index
    %get3A_40 = arith.constant 256 : index
    %get3A_41 = vector.load %arg11[%get3A_39, %get3A_40] : memref<256x2048xf32, #tpu.memory_space<vmem>>, vector<256x256xf32>
    %dot_general3A_42 = arith.constant dense<0.000000e+00> : vector<8x256xf32>
    %dot_general3A_43 = tpu.matmul %add3A_29, %get3A_41, %dot_general3A_42 {dimension_numbers = #tpu.dot_dimension_numbers<[1], [0], [0], [1], [0, 0, 1, 1], [], []>, transpose_lhs_hint = false} : vector<8x256xf32>, vector<256x256xf32>, vector<8x256xf32> -> vector<8x256xf32>
    %get3A_44 = arith.constant 0 : index
    %get3A_45 = arith.constant 256 : index
    %get3A_46 = vector.load %arg12[%get3A_44, %get3A_45] : memref<8x2048xf32, #tpu.memory_space<vmem>>, vector<8x256xf32>
    %add3A_47 = arith.addf %dot_general3A_43, %get3A_46 : vector<8x256xf32>
    %get3A_48 = arith.constant 0 : index
    %get3A_49 = arith.constant 512 : index
    %get3A_50 = vector.load %arg11[%get3A_48, %get3A_49] : memref<256x2048xf32, #tpu.memory_space<vmem>>, vector<256x256xf32>
    %dot_general3A_51 = arith.constant dense<0.000000e+00> : vector<8x256xf32>
    %dot_general3A_52 = tpu.matmul %add3A_29, %get3A_50, %dot_general3A_51 {dimension_numbers = #tpu.dot_dimension_numbers<[1], [0], [0], [1], [0, 0, 1, 1], [], []>, transpose_lhs_hint = false} : vector<8x256xf32>, vector<256x256xf32>, vector<8x256xf32> -> vector<8x256xf32>
    %get3A_53 = arith.constant 0 : index
    %get3A_54 = arith.constant 512 : index
    %get3A_55 = vector.load %arg12[%get3A_53, %get3A_54] : memref<8x2048xf32, #tpu.memory_space<vmem>>, vector<8x256xf32>
    %add3A_56 = arith.addf %dot_general3A_52, %get3A_55 : vector<8x256xf32>
    %get3A_57 = arith.constant 0 : index
    %get3A_58 = arith.constant 768 : index
    %get3A_59 = vector.load %arg11[%get3A_57, %get3A_58] : memref<256x2048xf32, #tpu.memory_space<vmem>>, vector<256x256xf32>
    %dot_general3A_60 = arith.constant dense<0.000000e+00> : vector<8x256xf32>
    %dot_general3A_61 = tpu.matmul %add3A_29, %get3A_59, %dot_general3A_60 {dimension_numbers = #tpu.dot_dimension_numbers<[1], [0], [0], [1], [0, 0, 1, 1], [], []>, transpose_lhs_hint = false} : vector<8x256xf32>, vector<256x256xf32>, vector<8x256xf32> -> vector<8x256xf32>
    %get3A_62 = arith.constant 0 : index
    %get3A_63 = arith.constant 768 : index
    %get3A_64 = vector.load %arg12[%get3A_62, %get3A_63] : memref<8x2048xf32, #tpu.memory_space<vmem>>, vector<8x256xf32>
    %add3A_65 = arith.addf %dot_general3A_61, %get3A_64 : vector<8x256xf32>
    %get3A_66 = arith.constant 0 : index
    %get3A_67 = arith.constant 1024 : index
    %get3A_68 = vector.load %arg11[%get3A_66, %get3A_67] : memref<256x2048xf32, #tpu.memory_space<vmem>>, vector<256x256xf32>
    %dot_general3A_69 = arith.constant dense<0.000000e+00> : vector<8x256xf32>
    %dot_general3A_70 = tpu.matmul %add3A_29, %get3A_68, %dot_general3A_69 {dimension_numbers = #tpu.dot_dimension_numbers<[1], [0], [0], [1], [0, 0, 1, 1], [], []>, transpose_lhs_hint = false} : vector<8x256xf32>, vector<256x256xf32>, vector<8x256xf32> -> vector<8x256xf32>
    %get3A_71 = arith.constant 0 : index
    %get3A_72 = arith.constant 1024 : index
    %get3A_73 = vector.load %arg12[%get3A_71, %get3A_72] : memref<8x2048xf32, #tpu.memory_space<vmem>>, vector<8x256xf32>
    %add3A_74 = arith.addf %dot_general3A_70, %get3A_73 : vector<8x256xf32>
    %get3A_75 = arith.constant 0 : index
    %get3A_76 = arith.constant 1280 : index
    %get3A_77 = vector.load %arg11[%get3A_75, %get3A_76] : memref<256x2048xf32, #tpu.memory_space<vmem>>, vector<256x256xf32>
    %dot_general3A_78 = arith.constant dense<0.000000e+00> : vector<8x256xf32>
    %dot_general3A_79 = tpu.matmul %add3A_29, %get3A_77, %dot_general3A_78 {dimension_numbers = #tpu.dot_dimension_numbers<[1], [0], [0], [1], [0, 0, 1, 1], [], []>, transpose_lhs_hint = false} : vector<8x256xf32>, vector<256x256xf32>, vector<8x256xf32> -> vector<8x256xf32>
    %get3A_80 = arith.constant 0 : index
    %get3A_81 = arith.constant 1280 : index
    %get3A_82 = vector.load %arg12[%get3A_80, %get3A_81] : memref<8x2048xf32, #tpu.memory_space<vmem>>, vector<8x256xf32>
    %add3A_83 = arith.addf %dot_general3A_79, %get3A_82 : vector<8x256xf32>
    %get3A_84 = arith.constant 0 : index
    %get3A_85 = arith.constant 1536 : index
    %get3A_86 = vector.load %arg11[%get3A_84, %get3A_85] : memref<256x2048xf32, #tpu.memory_space<vmem>>, vector<256x256xf32>
    %dot_general3A_87 = arith.constant dense<0.000000e+00> : vector<8x256xf32>
    %dot_general3A_88 = tpu.matmul %add3A_29, %get3A_86, %dot_general3A_87 {dimension_numbers = #tpu.dot_dimension_numbers<[1], [0], [0], [1], [0, 0, 1, 1], [], []>, transpose_lhs_hint = false} : vector<8x256xf32>, vector<256x256xf32>, vector<8x256xf32> -> vector<8x256xf32>
    %get3A_89 = arith.constant 0 : index
    %get3A_90 = arith.constant 1536 : index
    %get3A_91 = vector.load %arg12[%get3A_89, %get3A_90] : memref<8x2048xf32, #tpu.memory_space<vmem>>, vector<8x256xf32>
    %add3A_92 = arith.addf %dot_general3A_88, %get3A_91 : vector<8x256xf32>
    %get3A_93 = arith.constant 0 : index
    %get3A_94 = arith.constant 1792 : index
    %get3A_95 = vector.load %arg11[%get3A_93, %get3A_94] : memref<256x2048xf32, #tpu.memory_space<vmem>>, vector<256x256xf32>
    %dot_general3A_96 = arith.constant dense<0.000000e+00> : vector<8x256xf32>
    %dot_general3A_97 = tpu.matmul %add3A_29, %get3A_95, %dot_general3A_96 {dimension_numbers = #tpu.dot_dimension_numbers<[1], [0], [0], [1], [0, 0, 1, 1], [], []>, transpose_lhs_hint = false} : vector<8x256xf32>, vector<256x256xf32>, vector<8x256xf32> -> vector<8x256xf32>
    %get3A_98 = arith.constant 0 : index
    %get3A_99 = arith.constant 1792 : index
    %get3A_100 = vector.load %arg12[%get3A_98, %get3A_99] : memref<8x2048xf32, #tpu.memory_space<vmem>>, vector<8x256xf32>
    %add3A_101 = arith.addf %dot_general3A_97, %get3A_100 : vector<8x256xf32>
    %concatenate3A_102 = tpu.concatenate %add3A_38, %add3A_47, %add3A_56, %add3A_65, %add3A_74, %add3A_83, %add3A_92, %add3A_101 in 0 : vector<8x256xf32>, vector<8x256xf32>, vector<8x256xf32>, vector<8x256xf32>, vector<8x256xf32>, vector<8x256xf32>, vector<8x256xf32>, vector<8x256xf32> -> vector<64x256xf32>
    %iota3A = tpu.iota {dimensions = array<i32: 0>} : vector<64x1xi32>
    %jit3A = arith.constant 8 : i32
    %eq3A = arith.constant 0 : i32
    %eq3A_103 = arith.cmpi eq, %jit3A, %eq3A : i32
    %jit3A_104 = arith.constant 1 : i32
    %select_n3A = arith.select %eq3A_103, %jit3A_104, %jit3A : i32
    %rem3A = vector.broadcast %select_n3A : i32 to vector<64x1xi32>
    %rem3A_105 = arith.remsi %iota3A, %rem3A : vector<64x1xi32>
    %ne3A = arith.constant 0 : i32
    %ne3A_106 = vector.broadcast %ne3A : i32 to vector<64x1xi32>
    %ne3A_107 = arith.cmpi ne, %rem3A_105, %ne3A_106 : vector<64x1xi32>
    %lt3A = arith.constant 0 : i32
    %lt3A_108 = vector.broadcast %lt3A : i32 to vector<64x1xi32>
    %lt3A_109 = arith.cmpi slt, %rem3A_105, %lt3A_108 : vector<64x1xi32>
    %lt3A_110 = arith.constant 0 : i32
    %lt3A_111 = arith.cmpi slt, %select_n3A, %lt3A_110 : i32
    %ne3A_112 = vector.broadcast %lt3A_111 : i1 to vector<64x1xi1>
    %ne3A_113 = vector.broadcast %ne3A_112 : vector<64x1xi1> to vector<64x1xi1>
    %ne3A_114 = arith.xori %lt3A_109, %ne3A_113 : vector<64x1xi1>
    %and3A = arith.andi %ne3A_114, %ne3A_107 : vector<64x1xi1>
    %add3A_115 = vector.broadcast %select_n3A : i32 to vector<64x1xi32>
    %add3A_116 = arith.addi %rem3A_105, %add3A_115 : vector<64x1xi32>
    %select_n3A_117 = arith.select %and3A, %add3A_116, %rem3A_105 : vector<64x1xi1>, vector<64x1xi32>
    %eq3A_118 = arith.constant 0 : i32
    %eq3A_119 = vector.broadcast %eq3A_118 : i32 to vector<64x1xi32>
    %eq3A_120 = arith.cmpi eq, %select_n3A_117, %eq3A_119 : vector<64x1xi32>
    %jit3A_121 = arith.constant 0.000000e+00 : f32
    %broadcast_in_dim3A = vector.shape_cast %eq3A_120 : vector<64x1xi1> to vector<64x1xi1>
    %broadcast_in_dim3A_122 = vector.broadcast %broadcast_in_dim3A : vector<64x1xi1> to vector<64x256xi1>
    %broadcast_in_dim3A_123 = vector.broadcast %jit3A_121 : f32 to vector<64x256xf32>
    %select_n3A_124 = arith.select %broadcast_in_dim3A_122, %concatenate3A_102, %broadcast_in_dim3A_123 : vector<64x256xi1>, vector<64x256xf32>
    %eq3A_125 = arith.constant 1 : i32
    %eq3A_126 = vector.broadcast %eq3A_125 : i32 to vector<64x1xi32>
    %eq3A_127 = arith.cmpi eq, %select_n3A_117, %eq3A_126 : vector<64x1xi32>
    %jit3A_128 = arith.constant 0.000000e+00 : f32
    %broadcast_in_dim3A_129 = vector.shape_cast %eq3A_127 : vector<64x1xi1> to vector<64x1xi1>
    %broadcast_in_dim3A_130 = vector.broadcast %broadcast_in_dim3A_129 : vector<64x1xi1> to vector<64x256xi1>
    %broadcast_in_dim3A_131 = vector.broadcast %jit3A_128 : f32 to vector<64x256xf32>
    %select_n3A_132 = arith.select %broadcast_in_dim3A_130, %concatenate3A_102, %broadcast_in_dim3A_131 : vector<64x256xi1>, vector<64x256xf32>
    %eq3A_133 = arith.constant 2 : i32
    %eq3A_134 = vector.broadcast %eq3A_133 : i32 to vector<64x1xi32>
    %eq3A_135 = arith.cmpi eq, %select_n3A_117, %eq3A_134 : vector<64x1xi32>
    %jit3A_136 = arith.constant 0.000000e+00 : f32
    %broadcast_in_dim3A_137 = vector.shape_cast %eq3A_135 : vector<64x1xi1> to vector<64x1xi1>
    %broadcast_in_dim3A_138 = vector.broadcast %broadcast_in_dim3A_137 : vector<64x1xi1> to vector<64x256xi1>
    %broadcast_in_dim3A_139 = vector.broadcast %jit3A_136 : f32 to vector<64x256xf32>
    %select_n3A_140 = arith.select %broadcast_in_dim3A_138, %concatenate3A_102, %broadcast_in_dim3A_139 : vector<64x256xi1>, vector<64x256xf32>
    %eq3A_141 = arith.constant 3 : i32
    %eq3A_142 = vector.broadcast %eq3A_141 : i32 to vector<64x1xi32>
    %eq3A_143 = arith.cmpi eq, %select_n3A_117, %eq3A_142 : vector<64x1xi32>
    %jit3A_144 = arith.constant 0.000000e+00 : f32
    %broadcast_in_dim3A_145 = vector.shape_cast %eq3A_143 : vector<64x1xi1> to vector<64x1xi1>
    %broadcast_in_dim3A_146 = vector.broadcast %broadcast_in_dim3A_145 : vector<64x1xi1> to vector<64x256xi1>
    %broadcast_in_dim3A_147 = vector.broadcast %jit3A_144 : f32 to vector<64x256xf32>
    %select_n3A_148 = arith.select %broadcast_in_dim3A_146, %concatenate3A_102, %broadcast_in_dim3A_147 : vector<64x256xi1>, vector<64x256xf32>
    %eq3A_149 = arith.constant 4 : i32
    %eq3A_150 = vector.broadcast %eq3A_149 : i32 to vector<64x1xi32>
    %eq3A_151 = arith.cmpi eq, %select_n3A_117, %eq3A_150 : vector<64x1xi32>
    %jit3A_152 = arith.constant 0.000000e+00 : f32
    %broadcast_in_dim3A_153 = vector.shape_cast %eq3A_151 : vector<64x1xi1> to vector<64x1xi1>
    %broadcast_in_dim3A_154 = vector.broadcast %broadcast_in_dim3A_153 : vector<64x1xi1> to vector<64x256xi1>
    %broadcast_in_dim3A_155 = vector.broadcast %jit3A_152 : f32 to vector<64x256xf32>
    %select_n3A_156 = arith.select %broadcast_in_dim3A_154, %concatenate3A_102, %broadcast_in_dim3A_155 : vector<64x256xi1>, vector<64x256xf32>
    %eq3A_157 = arith.constant 5 : i32
    %eq3A_158 = vector.broadcast %eq3A_157 : i32 to vector<64x1xi32>
    %eq3A_159 = arith.cmpi eq, %select_n3A_117, %eq3A_158 : vector<64x1xi32>
    %jit3A_160 = arith.constant 0.000000e+00 : f32
    %broadcast_in_dim3A_161 = vector.shape_cast %eq3A_159 : vector<64x1xi1> to vector<64x1xi1>
    %broadcast_in_dim3A_162 = vector.broadcast %broadcast_in_dim3A_161 : vector<64x1xi1> to vector<64x256xi1>
    %broadcast_in_dim3A_163 = vector.broadcast %jit3A_160 : f32 to vector<64x256xf32>
    %select_n3A_164 = arith.select %broadcast_in_dim3A_162, %concatenate3A_102, %broadcast_in_dim3A_163 : vector<64x256xi1>, vector<64x256xf32>
    %eq3A_165 = arith.constant 6 : i32
    %eq3A_166 = vector.broadcast %eq3A_165 : i32 to vector<64x1xi32>
    %eq3A_167 = arith.cmpi eq, %select_n3A_117, %eq3A_166 : vector<64x1xi32>
    %jit3A_168 = arith.constant 0.000000e+00 : f32
    %broadcast_in_dim3A_169 = vector.shape_cast %eq3A_167 : vector<64x1xi1> to vector<64x1xi1>
    %broadcast_in_dim3A_170 = vector.broadcast %broadcast_in_dim3A_169 : vector<64x1xi1> to vector<64x256xi1>
    %broadcast_in_dim3A_171 = vector.broadcast %jit3A_168 : f32 to vector<64x256xf32>
    %select_n3A_172 = arith.select %broadcast_in_dim3A_170, %concatenate3A_102, %broadcast_in_dim3A_171 : vector<64x256xi1>, vector<64x256xf32>
    %eq3A_173 = arith.constant 7 : i32
    %eq3A_174 = vector.broadcast %eq3A_173 : i32 to vector<64x1xi32>
    %eq3A_175 = arith.cmpi eq, %select_n3A_117, %eq3A_174 : vector<64x1xi32>
    %jit3A_176 = arith.constant 0.000000e+00 : f32
    %broadcast_in_dim3A_177 = vector.shape_cast %eq3A_175 : vector<64x1xi1> to vector<64x1xi1>
    %broadcast_in_dim3A_178 = vector.broadcast %broadcast_in_dim3A_177 : vector<64x1xi1> to vector<64x256xi1>
    %broadcast_in_dim3A_179 = vector.broadcast %jit3A_176 : f32 to vector<64x256xf32>
    %select_n3A_180 = arith.select %broadcast_in_dim3A_178, %concatenate3A_102, %broadcast_in_dim3A_179 : vector<64x256xi1>, vector<64x256xf32>
    %concatenate3A_181 = tpu.concatenate %select_n3A_124, %select_n3A_132, %select_n3A_140, %select_n3A_148, %select_n3A_156, %select_n3A_164, %select_n3A_172, %select_n3A_180 in 1 : vector<64x256xf32>, vector<64x256xf32>, vector<64x256xf32>, vector<64x256xf32>, vector<64x256xf32>, vector<64x256xf32>, vector<64x256xf32>, vector<64x256xf32> -> vector<64x2048xf32>
    %get3A_182 = arith.constant 0 : index
    %get3A_183 = arith.constant 0 : index
    %get3A_184 = vector.load %arg3[%get3A_182, %get3A_183] : memref<200x2048xf32, #tpu.memory_space<vmem>>, vector<200x2048xf32>
    %dot_general3A_185 = arith.constant dense<0.000000e+00> : vector<64x200xf32>
    %dot_general3A_186 = tpu.matmul %concatenate3A_181, %get3A_184, %dot_general3A_185 {dimension_numbers = #tpu.dot_dimension_numbers<[1], [1], [0], [0], [0, 0, 1, 0], [], []>, transpose_lhs_hint = false} : vector<64x2048xf32>, vector<200x2048xf32>, vector<64x200xf32> -> vector<64x200xf32>
    %mul3A = arith.constant 6.250000e-02 : f32
    %mul3A_187 = vector.broadcast %mul3A : f32 to vector<64x200xf32>
    %mul3A_188 = arith.mulf %dot_general3A_186, %mul3A_187 : vector<64x200xf32>
    %bitcast_convert_type3A = tpu.bitcast %mul3A_188 : vector<64x200xf32> -> vector<64x200xi32>
    %ge3A = arith.constant -2147483648 : i32
    %ge3A_189 = vector.broadcast %ge3A : i32 to vector<64x200xi32>
    %ge3A_190 = arith.cmpi uge, %bitcast_convert_type3A, %ge3A_189 : vector<64x200xi32>
    %not3A = arith.constant dense<-1> : vector<64x200xi32>
    %not3A_191 = arith.xori %bitcast_convert_type3A, %not3A : vector<64x200xi32>
    %or3A = arith.constant -2147483648 : i32
    %or3A_192 = vector.broadcast %or3A : i32 to vector<64x200xi32>
    %or3A_193 = arith.ori %bitcast_convert_type3A, %or3A_192 : vector<64x200xi32>
    %select_n3A_194 = arith.select %ge3A_190, %not3A_191, %or3A_193 : vector<64x200xi1>, vector<64x200xi32>
    %broadcast_in_dim3A_195 = arith.constant 0 : i32
    %broadcast_in_dim3A_196 = vector.broadcast %broadcast_in_dim3A_195 : i32 to vector<64x1xi32>
    %or3A_197 = arith.constant -2147483648 : i32
    %or3A_198 = vector.broadcast %or3A_197 : i32 to vector<64x1xi32>
    %or3A_199 = arith.ori %broadcast_in_dim3A_196, %or3A_198 : vector<64x1xi32>
    %or3A_200 = arith.constant 1073741824 : i32
    %or3A_201 = vector.broadcast %or3A_200 : i32 to vector<64x1xi32>
    %or3A_202 = arith.ori %broadcast_in_dim3A_196, %or3A_201 : vector<64x1xi32>
    %or3A_203 = arith.constant -1073741824 : i32
    %or3A_204 = vector.broadcast %or3A_203 : i32 to vector<64x1xi32>
    %or3A_205 = arith.ori %broadcast_in_dim3A_196, %or3A_204 : vector<64x1xi32>
    %ge3A_206 = vector.broadcast %or3A_199 : vector<64x1xi32> to vector<64x200xi32>
    %ge3A_207 = arith.cmpi uge, %select_n3A_194, %ge3A_206 : vector<64x200xi32>
    %jit3A_208 = arith.constant 1.000000e+00 : f32
    %jit3A_209 = arith.constant 0.000000e+00 : f32
    %broadcast_in_dim3A_210 = vector.broadcast %jit3A_208 : f32 to vector<64x200xf32>
    %broadcast_in_dim3A_211 = vector.broadcast %jit3A_209 : f32 to vector<64x200xf32>
    %select_n3A_212 = arith.select %ge3A_207, %broadcast_in_dim3A_210, %broadcast_in_dim3A_211 : vector<64x200xi1>, vector<64x200xf32>
    %reduce_sum3A = arith.constant dense<0.000000e+00> : vector<64xf32>
    %reduce_sum3A_213 = vector.multi_reduction <add>, %select_n3A_212, %reduce_sum3A [1] : vector<64x200xf32> to vector<64xf32>
    %broadcast_in_dim3A_214 = vector.shape_cast %reduce_sum3A_213 : vector<64xf32> to vector<64x1xf32>
    %ge3A_215 = vector.broadcast %or3A_202 : vector<64x1xi32> to vector<64x200xi32>
    %ge3A_216 = arith.cmpi uge, %select_n3A_194, %ge3A_215 : vector<64x200xi32>
    %jit3A_217 = arith.constant 1.000000e+00 : f32
    %jit3A_218 = arith.constant 0.000000e+00 : f32
    %broadcast_in_dim3A_219 = vector.broadcast %jit3A_217 : f32 to vector<64x200xf32>
    %broadcast_in_dim3A_220 = vector.broadcast %jit3A_218 : f32 to vector<64x200xf32>
    %select_n3A_221 = arith.select %ge3A_216, %broadcast_in_dim3A_219, %broadcast_in_dim3A_220 : vector<64x200xi1>, vector<64x200xf32>
    %reduce_sum3A_222 = arith.constant dense<0.000000e+00> : vector<64xf32>
    %reduce_sum3A_223 = vector.multi_reduction <add>, %select_n3A_221, %reduce_sum3A_222 [1] : vector<64x200xf32> to vector<64xf32>
    %broadcast_in_dim3A_224 = vector.shape_cast %reduce_sum3A_223 : vector<64xf32> to vector<64x1xf32>
    %ge3A_225 = vector.broadcast %or3A_205 : vector<64x1xi32> to vector<64x200xi32>
    %ge3A_226 = arith.cmpi uge, %select_n3A_194, %ge3A_225 : vector<64x200xi32>
    %jit3A_227 = arith.constant 1.000000e+00 : f32
    %jit3A_228 = arith.constant 0.000000e+00 : f32
    %broadcast_in_dim3A_229 = vector.broadcast %jit3A_227 : f32 to vector<64x200xf32>
    %broadcast_in_dim3A_230 = vector.broadcast %jit3A_228 : f32 to vector<64x200xf32>
    %select_n3A_231 = arith.select %ge3A_226, %broadcast_in_dim3A_229, %broadcast_in_dim3A_230 : vector<64x200xi1>, vector<64x200xf32>
    %reduce_sum3A_232 = arith.constant dense<0.000000e+00> : vector<64xf32>
    %reduce_sum3A_233 = vector.multi_reduction <add>, %select_n3A_231, %reduce_sum3A_232 [1] : vector<64x200xf32> to vector<64xf32>
    %broadcast_in_dim3A_234 = vector.shape_cast %reduce_sum3A_233 : vector<64xf32> to vector<64x1xf32>
    %ge3A_235 = arith.constant 3.150000e+01 : f32
    %ge3A_236 = vector.broadcast %ge3A_235 : f32 to vector<64x1xf32>
    %ge3A_237 = arith.cmpf oge, %broadcast_in_dim3A_214, %ge3A_236 : vector<64x1xf32>
    %ge3A_238 = arith.constant 3.150000e+01 : f32
    %ge3A_239 = vector.broadcast %ge3A_238 : f32 to vector<64x1xf32>
    %ge3A_240 = arith.cmpf oge, %broadcast_in_dim3A_234, %ge3A_239 : vector<64x1xf32>
    %select_n3A_241 = arith.select %ge3A_240, %or3A_205, %or3A_199 : vector<64x1xi1>, vector<64x1xi32>
    %ge3A_242 = arith.constant 3.150000e+01 : f32
    %ge3A_243 = vector.broadcast %ge3A_242 : f32 to vector<64x1xf32>
    %ge3A_244 = arith.cmpf oge, %broadcast_in_dim3A_224, %ge3A_243 : vector<64x1xf32>
    %select_n3A_245 = arith.select %ge3A_244, %or3A_202, %broadcast_in_dim3A_196 : vector<64x1xi1>, vector<64x1xi32>
    %select_n3A_246 = arith.select %ge3A_237, %select_n3A_241, %select_n3A_245 : vector<64x1xi1>, vector<64x1xi32>
    %or3A_247 = arith.constant 536870912 : i32
    %or3A_248 = vector.broadcast %or3A_247 : i32 to vector<64x1xi32>
    %or3A_249 = arith.ori %select_n3A_246, %or3A_248 : vector<64x1xi32>
    %or3A_250 = arith.constant 268435456 : i32
    %or3A_251 = vector.broadcast %or3A_250 : i32 to vector<64x1xi32>
    %or3A_252 = arith.ori %select_n3A_246, %or3A_251 : vector<64x1xi32>
    %or3A_253 = arith.constant 805306368 : i32
    %or3A_254 = vector.broadcast %or3A_253 : i32 to vector<64x1xi32>
    %or3A_255 = arith.ori %select_n3A_246, %or3A_254 : vector<64x1xi32>
    %ge3A_256 = vector.broadcast %or3A_249 : vector<64x1xi32> to vector<64x200xi32>
    %ge3A_257 = arith.cmpi uge, %select_n3A_194, %ge3A_256 : vector<64x200xi32>
    %jit3A_258 = arith.constant 1.000000e+00 : f32
    %jit3A_259 = arith.constant 0.000000e+00 : f32
    %broadcast_in_dim3A_260 = vector.broadcast %jit3A_258 : f32 to vector<64x200xf32>
    %broadcast_in_dim3A_261 = vector.broadcast %jit3A_259 : f32 to vector<64x200xf32>
    %select_n3A_262 = arith.select %ge3A_257, %broadcast_in_dim3A_260, %broadcast_in_dim3A_261 : vector<64x200xi1>, vector<64x200xf32>
    %reduce_sum3A_263 = arith.constant dense<0.000000e+00> : vector<64xf32>
    %reduce_sum3A_264 = vector.multi_reduction <add>, %select_n3A_262, %reduce_sum3A_263 [1] : vector<64x200xf32> to vector<64xf32>
    %broadcast_in_dim3A_265 = vector.shape_cast %reduce_sum3A_264 : vector<64xf32> to vector<64x1xf32>
    %ge3A_266 = vector.broadcast %or3A_252 : vector<64x1xi32> to vector<64x200xi32>
    %ge3A_267 = arith.cmpi uge, %select_n3A_194, %ge3A_266 : vector<64x200xi32>
    %jit3A_268 = arith.constant 1.000000e+00 : f32
    %jit3A_269 = arith.constant 0.000000e+00 : f32
    %broadcast_in_dim3A_270 = vector.broadcast %jit3A_268 : f32 to vector<64x200xf32>
    %broadcast_in_dim3A_271 = vector.broadcast %jit3A_269 : f32 to vector<64x200xf32>
    %select_n3A_272 = arith.select %ge3A_267, %broadcast_in_dim3A_270, %broadcast_in_dim3A_271 : vector<64x200xi1>, vector<64x200xf32>
    %reduce_sum3A_273 = arith.constant dense<0.000000e+00> : vector<64xf32>
    %reduce_sum3A_274 = vector.multi_reduction <add>, %select_n3A_272, %reduce_sum3A_273 [1] : vector<64x200xf32> to vector<64xf32>
    %broadcast_in_dim3A_275 = vector.shape_cast %reduce_sum3A_274 : vector<64xf32> to vector<64x1xf32>
    %ge3A_276 = vector.broadcast %or3A_255 : vector<64x1xi32> to vector<64x200xi32>
    %ge3A_277 = arith.cmpi uge, %select_n3A_194, %ge3A_276 : vector<64x200xi32>
    %jit3A_278 = arith.constant 1.000000e+00 : f32
    %jit3A_279 = arith.constant 0.000000e+00 : f32
    %broadcast_in_dim3A_280 = vector.broadcast %jit3A_278 : f32 to vector<64x200xf32>
    %broadcast_in_dim3A_281 = vector.broadcast %jit3A_279 : f32 to vector<64x200xf32>
    %select_n3A_282 = arith.select %ge3A_277, %broadcast_in_dim3A_280, %broadcast_in_dim3A_281 : vector<64x200xi1>, vector<64x200xf32>
    %reduce_sum3A_283 = arith.constant dense<0.000000e+00> : vector<64xf32>
    %reduce_sum3A_284 = vector.multi_reduction <add>, %select_n3A_282, %reduce_sum3A_283 [1] : vector<64x200xf32> to vector<64xf32>
    %broadcast_in_dim3A_285 = vector.shape_cast %reduce_sum3A_284 : vector<64xf32> to vector<64x1xf32>
    %ge3A_286 = arith.constant 3.150000e+01 : f32
    %ge3A_287 = vector.broadcast %ge3A_286 : f32 to vector<64x1xf32>
    %ge3A_288 = arith.cmpf oge, %broadcast_in_dim3A_265, %ge3A_287 : vector<64x1xf32>
    %ge3A_289 = arith.constant 3.150000e+01 : f32
    %ge3A_290 = vector.broadcast %ge3A_289 : f32 to vector<64x1xf32>
    %ge3A_291 = arith.cmpf oge, %broadcast_in_dim3A_285, %ge3A_290 : vector<64x1xf32>
    %select_n3A_292 = arith.select %ge3A_291, %or3A_255, %or3A_249 : vector<64x1xi1>, vector<64x1xi32>
    %ge3A_293 = arith.constant 3.150000e+01 : f32
    %ge3A_294 = vector.broadcast %ge3A_293 : f32 to vector<64x1xf32>
    %ge3A_295 = arith.cmpf oge, %broadcast_in_dim3A_275, %ge3A_294 : vector<64x1xf32>
    %select_n3A_296 = arith.select %ge3A_295, %or3A_252, %select_n3A_246 : vector<64x1xi1>, vector<64x1xi32>
    %select_n3A_297 = arith.select %ge3A_288, %select_n3A_292, %select_n3A_296 : vector<64x1xi1>, vector<64x1xi32>
    %or3A_298 = arith.constant 134217728 : i32
    %or3A_299 = vector.broadcast %or3A_298 : i32 to vector<64x1xi32>
    %or3A_300 = arith.ori %select_n3A_297, %or3A_299 : vector<64x1xi32>
    %or3A_301 = arith.constant 67108864 : i32
    %or3A_302 = vector.broadcast %or3A_301 : i32 to vector<64x1xi32>
    %or3A_303 = arith.ori %select_n3A_297, %or3A_302 : vector<64x1xi32>
    %or3A_304 = arith.constant 201326592 : i32
    %or3A_305 = vector.broadcast %or3A_304 : i32 to vector<64x1xi32>
    %or3A_306 = arith.ori %select_n3A_297, %or3A_305 : vector<64x1xi32>
    %ge3A_307 = vector.broadcast %or3A_300 : vector<64x1xi32> to vector<64x200xi32>
    %ge3A_308 = arith.cmpi uge, %select_n3A_194, %ge3A_307 : vector<64x200xi32>
    %jit3A_309 = arith.constant 1.000000e+00 : f32
    %jit3A_310 = arith.constant 0.000000e+00 : f32
    %broadcast_in_dim3A_311 = vector.broadcast %jit3A_309 : f32 to vector<64x200xf32>
    %broadcast_in_dim3A_312 = vector.broadcast %jit3A_310 : f32 to vector<64x200xf32>
    %select_n3A_313 = arith.select %ge3A_308, %broadcast_in_dim3A_311, %broadcast_in_dim3A_312 : vector<64x200xi1>, vector<64x200xf32>
    %reduce_sum3A_314 = arith.constant dense<0.000000e+00> : vector<64xf32>
    %reduce_sum3A_315 = vector.multi_reduction <add>, %select_n3A_313, %reduce_sum3A_314 [1] : vector<64x200xf32> to vector<64xf32>
    %broadcast_in_dim3A_316 = vector.shape_cast %reduce_sum3A_315 : vector<64xf32> to vector<64x1xf32>
    %ge3A_317 = vector.broadcast %or3A_303 : vector<64x1xi32> to vector<64x200xi32>
    %ge3A_318 = arith.cmpi uge, %select_n3A_194, %ge3A_317 : vector<64x200xi32>
    %jit3A_319 = arith.constant 1.000000e+00 : f32
    %jit3A_320 = arith.constant 0.000000e+00 : f32
    %broadcast_in_dim3A_321 = vector.broadcast %jit3A_319 : f32 to vector<64x200xf32>
    %broadcast_in_dim3A_322 = vector.broadcast %jit3A_320 : f32 to vector<64x200xf32>
    %select_n3A_323 = arith.select %ge3A_318, %broadcast_in_dim3A_321, %broadcast_in_dim3A_322 : vector<64x200xi1>, vector<64x200xf32>
    %reduce_sum3A_324 = arith.constant dense<0.000000e+00> : vector<64xf32>
    %reduce_sum3A_325 = vector.multi_reduction <add>, %select_n3A_323, %reduce_sum3A_324 [1] : vector<64x200xf32> to vector<64xf32>
    %broadcast_in_dim3A_326 = vector.shape_cast %reduce_sum3A_325 : vector<64xf32> to vector<64x1xf32>
    %ge3A_327 = vector.broadcast %or3A_306 : vector<64x1xi32> to vector<64x200xi32>
    %ge3A_328 = arith.cmpi uge, %select_n3A_194, %ge3A_327 : vector<64x200xi32>
    %jit3A_329 = arith.constant 1.000000e+00 : f32
    %jit3A_330 = arith.constant 0.000000e+00 : f32
    %broadcast_in_dim3A_331 = vector.broadcast %jit3A_329 : f32 to vector<64x200xf32>
    %broadcast_in_dim3A_332 = vector.broadcast %jit3A_330 : f32 to vector<64x200xf32>
    %select_n3A_333 = arith.select %ge3A_328, %broadcast_in_dim3A_331, %broadcast_in_dim3A_332 : vector<64x200xi1>, vector<64x200xf32>
    %reduce_sum3A_334 = arith.constant dense<0.000000e+00> : vector<64xf32>
    %reduce_sum3A_335 = vector.multi_reduction <add>, %select_n3A_333, %reduce_sum3A_334 [1] : vector<64x200xf32> to vector<64xf32>
    %broadcast_in_dim3A_336 = vector.shape_cast %reduce_sum3A_335 : vector<64xf32> to vector<64x1xf32>
    %ge3A_337 = arith.constant 3.150000e+01 : f32
    %ge3A_338 = vector.broadcast %ge3A_337 : f32 to vector<64x1xf32>
    %ge3A_339 = arith.cmpf oge, %broadcast_in_dim3A_316, %ge3A_338 : vector<64x1xf32>
    %ge3A_340 = arith.constant 3.150000e+01 : f32
    %ge3A_341 = vector.broadcast %ge3A_340 : f32 to vector<64x1xf32>
    %ge3A_342 = arith.cmpf oge, %broadcast_in_dim3A_336, %ge3A_341 : vector<64x1xf32>
    %select_n3A_343 = arith.select %ge3A_342, %or3A_306, %or3A_300 : vector<64x1xi1>, vector<64x1xi32>
    %ge3A_344 = arith.constant 3.150000e+01 : f32
    %ge3A_345 = vector.broadcast %ge3A_344 : f32 to vector<64x1xf32>
    %ge3A_346 = arith.cmpf oge, %broadcast_in_dim3A_326, %ge3A_345 : vector<64x1xf32>
    %select_n3A_347 = arith.select %ge3A_346, %or3A_303, %select_n3A_297 : vector<64x1xi1>, vector<64x1xi32>
    %select_n3A_348 = arith.select %ge3A_339, %select_n3A_343, %select_n3A_347 : vector<64x1xi1>, vector<64x1xi32>
    %or3A_349 = arith.constant 33554432 : i32
    %or3A_350 = vector.broadcast %or3A_349 : i32 to vector<64x1xi32>
    %or3A_351 = arith.ori %select_n3A_348, %or3A_350 : vector<64x1xi32>
    %or3A_352 = arith.constant 16777216 : i32
    %or3A_353 = vector.broadcast %or3A_352 : i32 to vector<64x1xi32>
    %or3A_354 = arith.ori %select_n3A_348, %or3A_353 : vector<64x1xi32>
    %or3A_355 = arith.constant 50331648 : i32
    %or3A_356 = vector.broadcast %or3A_355 : i32 to vector<64x1xi32>
    %or3A_357 = arith.ori %select_n3A_348, %or3A_356 : vector<64x1xi32>
    %ge3A_358 = vector.broadcast %or3A_351 : vector<64x1xi32> to vector<64x200xi32>
    %ge3A_359 = arith.cmpi uge, %select_n3A_194, %ge3A_358 : vector<64x200xi32>
    %jit3A_360 = arith.constant 1.000000e+00 : f32
    %jit3A_361 = arith.constant 0.000000e+00 : f32
    %broadcast_in_dim3A_362 = vector.broadcast %jit3A_360 : f32 to vector<64x200xf32>
    %broadcast_in_dim3A_363 = vector.broadcast %jit3A_361 : f32 to vector<64x200xf32>
    %select_n3A_364 = arith.select %ge3A_359, %broadcast_in_dim3A_362, %broadcast_in_dim3A_363 : vector<64x200xi1>, vector<64x200xf32>
    %reduce_sum3A_365 = arith.constant dense<0.000000e+00> : vector<64xf32>
    %reduce_sum3A_366 = vector.multi_reduction <add>, %select_n3A_364, %reduce_sum3A_365 [1] : vector<64x200xf32> to vector<64xf32>
    %broadcast_in_dim3A_367 = vector.shape_cast %reduce_sum3A_366 : vector<64xf32> to vector<64x1xf32>
    %ge3A_368 = vector.broadcast %or3A_354 : vector<64x1xi32> to vector<64x200xi32>
    %ge3A_369 = arith.cmpi uge, %select_n3A_194, %ge3A_368 : vector<64x200xi32>
    %jit3A_370 = arith.constant 1.000000e+00 : f32
    %jit3A_371 = arith.constant 0.000000e+00 : f32
    %broadcast_in_dim3A_372 = vector.broadcast %jit3A_370 : f32 to vector<64x200xf32>
    %broadcast_in_dim3A_373 = vector.broadcast %jit3A_371 : f32 to vector<64x200xf32>
    %select_n3A_374 = arith.select %ge3A_369, %broadcast_in_dim3A_372, %broadcast_in_dim3A_373 : vector<64x200xi1>, vector<64x200xf32>
    %reduce_sum3A_375 = arith.constant dense<0.000000e+00> : vector<64xf32>
    %reduce_sum3A_376 = vector.multi_reduction <add>, %select_n3A_374, %reduce_sum3A_375 [1] : vector<64x200xf32> to vector<64xf32>
    %broadcast_in_dim3A_377 = vector.shape_cast %reduce_sum3A_376 : vector<64xf32> to vector<64x1xf32>
    %ge3A_378 = vector.broadcast %or3A_357 : vector<64x1xi32> to vector<64x200xi32>
    %ge3A_379 = arith.cmpi uge, %select_n3A_194, %ge3A_378 : vector<64x200xi32>
    %jit3A_380 = arith.constant 1.000000e+00 : f32
    %jit3A_381 = arith.constant 0.000000e+00 : f32
    %broadcast_in_dim3A_382 = vector.broadcast %jit3A_380 : f32 to vector<64x200xf32>
    %broadcast_in_dim3A_383 = vector.broadcast %jit3A_381 : f32 to vector<64x200xf32>
    %select_n3A_384 = arith.select %ge3A_379, %broadcast_in_dim3A_382, %broadcast_in_dim3A_383 : vector<64x200xi1>, vector<64x200xf32>
    %reduce_sum3A_385 = arith.constant dense<0.000000e+00> : vector<64xf32>
    %reduce_sum3A_386 = vector.multi_reduction <add>, %select_n3A_384, %reduce_sum3A_385 [1] : vector<64x200xf32> to vector<64xf32>
    %broadcast_in_dim3A_387 = vector.shape_cast %reduce_sum3A_386 : vector<64xf32> to vector<64x1xf32>
    %ge3A_388 = arith.constant 3.150000e+01 : f32
    %ge3A_389 = vector.broadcast %ge3A_388 : f32 to vector<64x1xf32>
    %ge3A_390 = arith.cmpf oge, %broadcast_in_dim3A_367, %ge3A_389 : vector<64x1xf32>
    %ge3A_391 = arith.constant 3.150000e+01 : f32
    %ge3A_392 = vector.broadcast %ge3A_391 : f32 to vector<64x1xf32>
    %ge3A_393 = arith.cmpf oge, %broadcast_in_dim3A_387, %ge3A_392 : vector<64x1xf32>
    %select_n3A_394 = arith.select %ge3A_393, %or3A_357, %or3A_351 : vector<64x1xi1>, vector<64x1xi32>
    %ge3A_395 = arith.constant 3.150000e+01 : f32
    %ge3A_396 = vector.broadcast %ge3A_395 : f32 to vector<64x1xf32>
    %ge3A_397 = arith.cmpf oge, %broadcast_in_dim3A_377, %ge3A_396 : vector<64x1xf32>
    %select_n3A_398 = arith.select %ge3A_397, %or3A_354, %select_n3A_348 : vector<64x1xi1>, vector<64x1xi32>
    %select_n3A_399 = arith.select %ge3A_390, %select_n3A_394, %select_n3A_398 : vector<64x1xi1>, vector<64x1xi32>
    %or3A_400 = arith.constant 8388608 : i32
    %or3A_401 = vector.broadcast %or3A_400 : i32 to vector<64x1xi32>
    %or3A_402 = arith.ori %select_n3A_399, %or3A_401 : vector<64x1xi32>
    %or3A_403 = arith.constant 4194304 : i32
    %or3A_404 = vector.broadcast %or3A_403 : i32 to vector<64x1xi32>
    %or3A_405 = arith.ori %select_n3A_399, %or3A_404 : vector<64x1xi32>
    %or3A_406 = arith.constant 12582912 : i32
    %or3A_407 = vector.broadcast %or3A_406 : i32 to vector<64x1xi32>
    %or3A_408 = arith.ori %select_n3A_399, %or3A_407 : vector<64x1xi32>
    %ge3A_409 = vector.broadcast %or3A_402 : vector<64x1xi32> to vector<64x200xi32>
    %ge3A_410 = arith.cmpi uge, %select_n3A_194, %ge3A_409 : vector<64x200xi32>
    %jit3A_411 = arith.constant 1.000000e+00 : f32
    %jit3A_412 = arith.constant 0.000000e+00 : f32
    %broadcast_in_dim3A_413 = vector.broadcast %jit3A_411 : f32 to vector<64x200xf32>
    %broadcast_in_dim3A_414 = vector.broadcast %jit3A_412 : f32 to vector<64x200xf32>
    %select_n3A_415 = arith.select %ge3A_410, %broadcast_in_dim3A_413, %broadcast_in_dim3A_414 : vector<64x200xi1>, vector<64x200xf32>
    %reduce_sum3A_416 = arith.constant dense<0.000000e+00> : vector<64xf32>
    %reduce_sum3A_417 = vector.multi_reduction <add>, %select_n3A_415, %reduce_sum3A_416 [1] : vector<64x200xf32> to vector<64xf32>
    %broadcast_in_dim3A_418 = vector.shape_cast %reduce_sum3A_417 : vector<64xf32> to vector<64x1xf32>
    %ge3A_419 = vector.broadcast %or3A_405 : vector<64x1xi32> to vector<64x200xi32>
    %ge3A_420 = arith.cmpi uge, %select_n3A_194, %ge3A_419 : vector<64x200xi32>
    %jit3A_421 = arith.constant 1.000000e+00 : f32
    %jit3A_422 = arith.constant 0.000000e+00 : f32
    %broadcast_in_dim3A_423 = vector.broadcast %jit3A_421 : f32 to vector<64x200xf32>
    %broadcast_in_dim3A_424 = vector.broadcast %jit3A_422 : f32 to vector<64x200xf32>
    %select_n3A_425 = arith.select %ge3A_420, %broadcast_in_dim3A_423, %broadcast_in_dim3A_424 : vector<64x200xi1>, vector<64x200xf32>
    %reduce_sum3A_426 = arith.constant dense<0.000000e+00> : vector<64xf32>
    %reduce_sum3A_427 = vector.multi_reduction <add>, %select_n3A_425, %reduce_sum3A_426 [1] : vector<64x200xf32> to vector<64xf32>
    %broadcast_in_dim3A_428 = vector.shape_cast %reduce_sum3A_427 : vector<64xf32> to vector<64x1xf32>
    %ge3A_429 = vector.broadcast %or3A_408 : vector<64x1xi32> to vector<64x200xi32>
    %ge3A_430 = arith.cmpi uge, %select_n3A_194, %ge3A_429 : vector<64x200xi32>
    %jit3A_431 = arith.constant 1.000000e+00 : f32
    %jit3A_432 = arith.constant 0.000000e+00 : f32
    %broadcast_in_dim3A_433 = vector.broadcast %jit3A_431 : f32 to vector<64x200xf32>
    %broadcast_in_dim3A_434 = vector.broadcast %jit3A_432 : f32 to vector<64x200xf32>
    %select_n3A_435 = arith.select %ge3A_430, %broadcast_in_dim3A_433, %broadcast_in_dim3A_434 : vector<64x200xi1>, vector<64x200xf32>
    %reduce_sum3A_436 = arith.constant dense<0.000000e+00> : vector<64xf32>
    %reduce_sum3A_437 = vector.multi_reduction <add>, %select_n3A_435, %reduce_sum3A_436 [1] : vector<64x200xf32> to vector<64xf32>
    %broadcast_in_dim3A_438 = vector.shape_cast %reduce_sum3A_437 : vector<64xf32> to vector<64x1xf32>
    %ge3A_439 = arith.constant 3.150000e+01 : f32
    %ge3A_440 = vector.broadcast %ge3A_439 : f32 to vector<64x1xf32>
    %ge3A_441 = arith.cmpf oge, %broadcast_in_dim3A_418, %ge3A_440 : vector<64x1xf32>
    %ge3A_442 = arith.constant 3.150000e+01 : f32
    %ge3A_443 = vector.broadcast %ge3A_442 : f32 to vector<64x1xf32>
    %ge3A_444 = arith.cmpf oge, %broadcast_in_dim3A_438, %ge3A_443 : vector<64x1xf32>
    %select_n3A_445 = arith.select %ge3A_444, %or3A_408, %or3A_402 : vector<64x1xi1>, vector<64x1xi32>
    %ge3A_446 = arith.constant 3.150000e+01 : f32
    %ge3A_447 = vector.broadcast %ge3A_446 : f32 to vector<64x1xf32>
    %ge3A_448 = arith.cmpf oge, %broadcast_in_dim3A_428, %ge3A_447 : vector<64x1xf32>
    %select_n3A_449 = arith.select %ge3A_448, %or3A_405, %select_n3A_399 : vector<64x1xi1>, vector<64x1xi32>
    %select_n3A_450 = arith.select %ge3A_441, %select_n3A_445, %select_n3A_449 : vector<64x1xi1>, vector<64x1xi32>
    %or3A_451 = arith.constant 2097152 : i32
    %or3A_452 = vector.broadcast %or3A_451 : i32 to vector<64x1xi32>
    %or3A_453 = arith.ori %select_n3A_450, %or3A_452 : vector<64x1xi32>
    %or3A_454 = arith.constant 1048576 : i32
    %or3A_455 = vector.broadcast %or3A_454 : i32 to vector<64x1xi32>
    %or3A_456 = arith.ori %select_n3A_450, %or3A_455 : vector<64x1xi32>
    %or3A_457 = arith.constant 3145728 : i32
    %or3A_458 = vector.broadcast %or3A_457 : i32 to vector<64x1xi32>
    %or3A_459 = arith.ori %select_n3A_450, %or3A_458 : vector<64x1xi32>
    %ge3A_460 = vector.broadcast %or3A_453 : vector<64x1xi32> to vector<64x200xi32>
    %ge3A_461 = arith.cmpi uge, %select_n3A_194, %ge3A_460 : vector<64x200xi32>
    %jit3A_462 = arith.constant 1.000000e+00 : f32
    %jit3A_463 = arith.constant 0.000000e+00 : f32
    %broadcast_in_dim3A_464 = vector.broadcast %jit3A_462 : f32 to vector<64x200xf32>
    %broadcast_in_dim3A_465 = vector.broadcast %jit3A_463 : f32 to vector<64x200xf32>
    %select_n3A_466 = arith.select %ge3A_461, %broadcast_in_dim3A_464, %broadcast_in_dim3A_465 : vector<64x200xi1>, vector<64x200xf32>
    %reduce_sum3A_467 = arith.constant dense<0.000000e+00> : vector<64xf32>
    %reduce_sum3A_468 = vector.multi_reduction <add>, %select_n3A_466, %reduce_sum3A_467 [1] : vector<64x200xf32> to vector<64xf32>
    %broadcast_in_dim3A_469 = vector.shape_cast %reduce_sum3A_468 : vector<64xf32> to vector<64x1xf32>
    %ge3A_470 = vector.broadcast %or3A_456 : vector<64x1xi32> to vector<64x200xi32>
    %ge3A_471 = arith.cmpi uge, %select_n3A_194, %ge3A_470 : vector<64x200xi32>
    %jit3A_472 = arith.constant 1.000000e+00 : f32
    %jit3A_473 = arith.constant 0.000000e+00 : f32
    %broadcast_in_dim3A_474 = vector.broadcast %jit3A_472 : f32 to vector<64x200xf32>
    %broadcast_in_dim3A_475 = vector.broadcast %jit3A_473 : f32 to vector<64x200xf32>
    %select_n3A_476 = arith.select %ge3A_471, %broadcast_in_dim3A_474, %broadcast_in_dim3A_475 : vector<64x200xi1>, vector<64x200xf32>
    %reduce_sum3A_477 = arith.constant dense<0.000000e+00> : vector<64xf32>
    %reduce_sum3A_478 = vector.multi_reduction <add>, %select_n3A_476, %reduce_sum3A_477 [1] : vector<64x200xf32> to vector<64xf32>
    %broadcast_in_dim3A_479 = vector.shape_cast %reduce_sum3A_478 : vector<64xf32> to vector<64x1xf32>
    %ge3A_480 = vector.broadcast %or3A_459 : vector<64x1xi32> to vector<64x200xi32>
    %ge3A_481 = arith.cmpi uge, %select_n3A_194, %ge3A_480 : vector<64x200xi32>
    %jit3A_482 = arith.constant 1.000000e+00 : f32
    %jit3A_483 = arith.constant 0.000000e+00 : f32
    %broadcast_in_dim3A_484 = vector.broadcast %jit3A_482 : f32 to vector<64x200xf32>
    %broadcast_in_dim3A_485 = vector.broadcast %jit3A_483 : f32 to vector<64x200xf32>
    %select_n3A_486 = arith.select %ge3A_481, %broadcast_in_dim3A_484, %broadcast_in_dim3A_485 : vector<64x200xi1>, vector<64x200xf32>
    %reduce_sum3A_487 = arith.constant dense<0.000000e+00> : vector<64xf32>
    %reduce_sum3A_488 = vector.multi_reduction <add>, %select_n3A_486, %reduce_sum3A_487 [1] : vector<64x200xf32> to vector<64xf32>
    %broadcast_in_dim3A_489 = vector.shape_cast %reduce_sum3A_488 : vector<64xf32> to vector<64x1xf32>
    %ge3A_490 = arith.constant 3.150000e+01 : f32
    %ge3A_491 = vector.broadcast %ge3A_490 : f32 to vector<64x1xf32>
    %ge3A_492 = arith.cmpf oge, %broadcast_in_dim3A_469, %ge3A_491 : vector<64x1xf32>
    %ge3A_493 = arith.constant 3.150000e+01 : f32
    %ge3A_494 = vector.broadcast %ge3A_493 : f32 to vector<64x1xf32>
    %ge3A_495 = arith.cmpf oge, %broadcast_in_dim3A_489, %ge3A_494 : vector<64x1xf32>
    %select_n3A_496 = arith.select %ge3A_495, %or3A_459, %or3A_453 : vector<64x1xi1>, vector<64x1xi32>
    %ge3A_497 = arith.constant 3.150000e+01 : f32
    %ge3A_498 = vector.broadcast %ge3A_497 : f32 to vector<64x1xf32>
    %ge3A_499 = arith.cmpf oge, %broadcast_in_dim3A_479, %ge3A_498 : vector<64x1xf32>
    %select_n3A_500 = arith.select %ge3A_499, %or3A_456, %select_n3A_450 : vector<64x1xi1>, vector<64x1xi32>
    %select_n3A_501 = arith.select %ge3A_492, %select_n3A_496, %select_n3A_500 : vector<64x1xi1>, vector<64x1xi32>
    %or3A_502 = arith.constant 524288 : i32
    %or3A_503 = vector.broadcast %or3A_502 : i32 to vector<64x1xi32>
    %or3A_504 = arith.ori %select_n3A_501, %or3A_503 : vector<64x1xi32>
    %or3A_505 = arith.constant 262144 : i32
    %or3A_506 = vector.broadcast %or3A_505 : i32 to vector<64x1xi32>
    %or3A_507 = arith.ori %select_n3A_501, %or3A_506 : vector<64x1xi32>
    %or3A_508 = arith.constant 786432 : i32
    %or3A_509 = vector.broadcast %or3A_508 : i32 to vector<64x1xi32>
    %or3A_510 = arith.ori %select_n3A_501, %or3A_509 : vector<64x1xi32>
    %ge3A_511 = vector.broadcast %or3A_504 : vector<64x1xi32> to vector<64x200xi32>
    %ge3A_512 = arith.cmpi uge, %select_n3A_194, %ge3A_511 : vector<64x200xi32>
    %jit3A_513 = arith.constant 1.000000e+00 : f32
    %jit3A_514 = arith.constant 0.000000e+00 : f32
    %broadcast_in_dim3A_515 = vector.broadcast %jit3A_513 : f32 to vector<64x200xf32>
    %broadcast_in_dim3A_516 = vector.broadcast %jit3A_514 : f32 to vector<64x200xf32>
    %select_n3A_517 = arith.select %ge3A_512, %broadcast_in_dim3A_515, %broadcast_in_dim3A_516 : vector<64x200xi1>, vector<64x200xf32>
    %reduce_sum3A_518 = arith.constant dense<0.000000e+00> : vector<64xf32>
    %reduce_sum3A_519 = vector.multi_reduction <add>, %select_n3A_517, %reduce_sum3A_518 [1] : vector<64x200xf32> to vector<64xf32>
    %broadcast_in_dim3A_520 = vector.shape_cast %reduce_sum3A_519 : vector<64xf32> to vector<64x1xf32>
    %ge3A_521 = vector.broadcast %or3A_507 : vector<64x1xi32> to vector<64x200xi32>
    %ge3A_522 = arith.cmpi uge, %select_n3A_194, %ge3A_521 : vector<64x200xi32>
    %jit3A_523 = arith.constant 1.000000e+00 : f32
    %jit3A_524 = arith.constant 0.000000e+00 : f32
    %broadcast_in_dim3A_525 = vector.broadcast %jit3A_523 : f32 to vector<64x200xf32>
    %broadcast_in_dim3A_526 = vector.broadcast %jit3A_524 : f32 to vector<64x200xf32>
    %select_n3A_527 = arith.select %ge3A_522, %broadcast_in_dim3A_525, %broadcast_in_dim3A_526 : vector<64x200xi1>, vector<64x200xf32>
    %reduce_sum3A_528 = arith.constant dense<0.000000e+00> : vector<64xf32>
    %reduce_sum3A_529 = vector.multi_reduction <add>, %select_n3A_527, %reduce_sum3A_528 [1] : vector<64x200xf32> to vector<64xf32>
    %broadcast_in_dim3A_530 = vector.shape_cast %reduce_sum3A_529 : vector<64xf32> to vector<64x1xf32>
    %ge3A_531 = vector.broadcast %or3A_510 : vector<64x1xi32> to vector<64x200xi32>
    %ge3A_532 = arith.cmpi uge, %select_n3A_194, %ge3A_531 : vector<64x200xi32>
    %jit3A_533 = arith.constant 1.000000e+00 : f32
    %jit3A_534 = arith.constant 0.000000e+00 : f32
    %broadcast_in_dim3A_535 = vector.broadcast %jit3A_533 : f32 to vector<64x200xf32>
    %broadcast_in_dim3A_536 = vector.broadcast %jit3A_534 : f32 to vector<64x200xf32>
    %select_n3A_537 = arith.select %ge3A_532, %broadcast_in_dim3A_535, %broadcast_in_dim3A_536 : vector<64x200xi1>, vector<64x200xf32>
    %reduce_sum3A_538 = arith.constant dense<0.000000e+00> : vector<64xf32>
    %reduce_sum3A_539 = vector.multi_reduction <add>, %select_n3A_537, %reduce_sum3A_538 [1] : vector<64x200xf32> to vector<64xf32>
    %broadcast_in_dim3A_540 = vector.shape_cast %reduce_sum3A_539 : vector<64xf32> to vector<64x1xf32>
    %ge3A_541 = arith.constant 3.150000e+01 : f32
    %ge3A_542 = vector.broadcast %ge3A_541 : f32 to vector<64x1xf32>
    %ge3A_543 = arith.cmpf oge, %broadcast_in_dim3A_520, %ge3A_542 : vector<64x1xf32>
    %ge3A_544 = arith.constant 3.150000e+01 : f32
    %ge3A_545 = vector.broadcast %ge3A_544 : f32 to vector<64x1xf32>
    %ge3A_546 = arith.cmpf oge, %broadcast_in_dim3A_540, %ge3A_545 : vector<64x1xf32>
    %select_n3A_547 = arith.select %ge3A_546, %or3A_510, %or3A_504 : vector<64x1xi1>, vector<64x1xi32>
    %ge3A_548 = arith.constant 3.150000e+01 : f32
    %ge3A_549 = vector.broadcast %ge3A_548 : f32 to vector<64x1xf32>
    %ge3A_550 = arith.cmpf oge, %broadcast_in_dim3A_530, %ge3A_549 : vector<64x1xf32>
    %select_n3A_551 = arith.select %ge3A_550, %or3A_507, %select_n3A_501 : vector<64x1xi1>, vector<64x1xi32>
    %select_n3A_552 = arith.select %ge3A_543, %select_n3A_547, %select_n3A_551 : vector<64x1xi1>, vector<64x1xi32>
    %or3A_553 = arith.constant 131072 : i32
    %or3A_554 = vector.broadcast %or3A_553 : i32 to vector<64x1xi32>
    %or3A_555 = arith.ori %select_n3A_552, %or3A_554 : vector<64x1xi32>
    %or3A_556 = arith.constant 65536 : i32
    %or3A_557 = vector.broadcast %or3A_556 : i32 to vector<64x1xi32>
    %or3A_558 = arith.ori %select_n3A_552, %or3A_557 : vector<64x1xi32>
    %or3A_559 = arith.constant 196608 : i32
    %or3A_560 = vector.broadcast %or3A_559 : i32 to vector<64x1xi32>
    %or3A_561 = arith.ori %select_n3A_552, %or3A_560 : vector<64x1xi32>
    %ge3A_562 = vector.broadcast %or3A_555 : vector<64x1xi32> to vector<64x200xi32>
    %ge3A_563 = arith.cmpi uge, %select_n3A_194, %ge3A_562 : vector<64x200xi32>
    %jit3A_564 = arith.constant 1.000000e+00 : f32
    %jit3A_565 = arith.constant 0.000000e+00 : f32
    %broadcast_in_dim3A_566 = vector.broadcast %jit3A_564 : f32 to vector<64x200xf32>
    %broadcast_in_dim3A_567 = vector.broadcast %jit3A_565 : f32 to vector<64x200xf32>
    %select_n3A_568 = arith.select %ge3A_563, %broadcast_in_dim3A_566, %broadcast_in_dim3A_567 : vector<64x200xi1>, vector<64x200xf32>
    %reduce_sum3A_569 = arith.constant dense<0.000000e+00> : vector<64xf32>
    %reduce_sum3A_570 = vector.multi_reduction <add>, %select_n3A_568, %reduce_sum3A_569 [1] : vector<64x200xf32> to vector<64xf32>
    %broadcast_in_dim3A_571 = vector.shape_cast %reduce_sum3A_570 : vector<64xf32> to vector<64x1xf32>
    %ge3A_572 = vector.broadcast %or3A_558 : vector<64x1xi32> to vector<64x200xi32>
    %ge3A_573 = arith.cmpi uge, %select_n3A_194, %ge3A_572 : vector<64x200xi32>
    %jit3A_574 = arith.constant 1.000000e+00 : f32
    %jit3A_575 = arith.constant 0.000000e+00 : f32
    %broadcast_in_dim3A_576 = vector.broadcast %jit3A_574 : f32 to vector<64x200xf32>
    %broadcast_in_dim3A_577 = vector.broadcast %jit3A_575 : f32 to vector<64x200xf32>
    %select_n3A_578 = arith.select %ge3A_573, %broadcast_in_dim3A_576, %broadcast_in_dim3A_577 : vector<64x200xi1>, vector<64x200xf32>
    %reduce_sum3A_579 = arith.constant dense<0.000000e+00> : vector<64xf32>
    %reduce_sum3A_580 = vector.multi_reduction <add>, %select_n3A_578, %reduce_sum3A_579 [1] : vector<64x200xf32> to vector<64xf32>
    %broadcast_in_dim3A_581 = vector.shape_cast %reduce_sum3A_580 : vector<64xf32> to vector<64x1xf32>
    %ge3A_582 = vector.broadcast %or3A_561 : vector<64x1xi32> to vector<64x200xi32>
    %ge3A_583 = arith.cmpi uge, %select_n3A_194, %ge3A_582 : vector<64x200xi32>
    %jit3A_584 = arith.constant 1.000000e+00 : f32
    %jit3A_585 = arith.constant 0.000000e+00 : f32
    %broadcast_in_dim3A_586 = vector.broadcast %jit3A_584 : f32 to vector<64x200xf32>
    %broadcast_in_dim3A_587 = vector.broadcast %jit3A_585 : f32 to vector<64x200xf32>
    %select_n3A_588 = arith.select %ge3A_583, %broadcast_in_dim3A_586, %broadcast_in_dim3A_587 : vector<64x200xi1>, vector<64x200xf32>
    %reduce_sum3A_589 = arith.constant dense<0.000000e+00> : vector<64xf32>
    %reduce_sum3A_590 = vector.multi_reduction <add>, %select_n3A_588, %reduce_sum3A_589 [1] : vector<64x200xf32> to vector<64xf32>
    %broadcast_in_dim3A_591 = vector.shape_cast %reduce_sum3A_590 : vector<64xf32> to vector<64x1xf32>
    %ge3A_592 = arith.constant 3.150000e+01 : f32
    %ge3A_593 = vector.broadcast %ge3A_592 : f32 to vector<64x1xf32>
    %ge3A_594 = arith.cmpf oge, %broadcast_in_dim3A_571, %ge3A_593 : vector<64x1xf32>
    %ge3A_595 = arith.constant 3.150000e+01 : f32
    %ge3A_596 = vector.broadcast %ge3A_595 : f32 to vector<64x1xf32>
    %ge3A_597 = arith.cmpf oge, %broadcast_in_dim3A_591, %ge3A_596 : vector<64x1xf32>
    %select_n3A_598 = arith.select %ge3A_597, %or3A_561, %or3A_555 : vector<64x1xi1>, vector<64x1xi32>
    %ge3A_599 = arith.constant 3.150000e+01 : f32
    %ge3A_600 = vector.broadcast %ge3A_599 : f32 to vector<64x1xf32>
    %ge3A_601 = arith.cmpf oge, %broadcast_in_dim3A_581, %ge3A_600 : vector<64x1xf32>
    %select_n3A_602 = arith.select %ge3A_601, %or3A_558, %select_n3A_552 : vector<64x1xi1>, vector<64x1xi32>
    %select_n3A_603 = arith.select %ge3A_594, %select_n3A_598, %select_n3A_602 : vector<64x1xi1>, vector<64x1xi32>
    %or3A_604 = arith.constant 32768 : i32
    %or3A_605 = vector.broadcast %or3A_604 : i32 to vector<64x1xi32>
    %or3A_606 = arith.ori %select_n3A_603, %or3A_605 : vector<64x1xi32>
    %or3A_607 = arith.constant 16384 : i32
    %or3A_608 = vector.broadcast %or3A_607 : i32 to vector<64x1xi32>
    %or3A_609 = arith.ori %select_n3A_603, %or3A_608 : vector<64x1xi32>
    %or3A_610 = arith.constant 49152 : i32
    %or3A_611 = vector.broadcast %or3A_610 : i32 to vector<64x1xi32>
    %or3A_612 = arith.ori %select_n3A_603, %or3A_611 : vector<64x1xi32>
    %ge3A_613 = vector.broadcast %or3A_606 : vector<64x1xi32> to vector<64x200xi32>
    %ge3A_614 = arith.cmpi uge, %select_n3A_194, %ge3A_613 : vector<64x200xi32>
    %jit3A_615 = arith.constant 1.000000e+00 : f32
    %jit3A_616 = arith.constant 0.000000e+00 : f32
    %broadcast_in_dim3A_617 = vector.broadcast %jit3A_615 : f32 to vector<64x200xf32>
    %broadcast_in_dim3A_618 = vector.broadcast %jit3A_616 : f32 to vector<64x200xf32>
    %select_n3A_619 = arith.select %ge3A_614, %broadcast_in_dim3A_617, %broadcast_in_dim3A_618 : vector<64x200xi1>, vector<64x200xf32>
    %reduce_sum3A_620 = arith.constant dense<0.000000e+00> : vector<64xf32>
    %reduce_sum3A_621 = vector.multi_reduction <add>, %select_n3A_619, %reduce_sum3A_620 [1] : vector<64x200xf32> to vector<64xf32>
    %broadcast_in_dim3A_622 = vector.shape_cast %reduce_sum3A_621 : vector<64xf32> to vector<64x1xf32>
    %ge3A_623 = vector.broadcast %or3A_609 : vector<64x1xi32> to vector<64x200xi32>
    %ge3A_624 = arith.cmpi uge, %select_n3A_194, %ge3A_623 : vector<64x200xi32>
    %jit3A_625 = arith.constant 1.000000e+00 : f32
    %jit3A_626 = arith.constant 0.000000e+00 : f32
    %broadcast_in_dim3A_627 = vector.broadcast %jit3A_625 : f32 to vector<64x200xf32>
    %broadcast_in_dim3A_628 = vector.broadcast %jit3A_626 : f32 to vector<64x200xf32>
    %select_n3A_629 = arith.select %ge3A_624, %broadcast_in_dim3A_627, %broadcast_in_dim3A_628 : vector<64x200xi1>, vector<64x200xf32>
    %reduce_sum3A_630 = arith.constant dense<0.000000e+00> : vector<64xf32>
    %reduce_sum3A_631 = vector.multi_reduction <add>, %select_n3A_629, %reduce_sum3A_630 [1] : vector<64x200xf32> to vector<64xf32>
    %broadcast_in_dim3A_632 = vector.shape_cast %reduce_sum3A_631 : vector<64xf32> to vector<64x1xf32>
    %ge3A_633 = vector.broadcast %or3A_612 : vector<64x1xi32> to vector<64x200xi32>
    %ge3A_634 = arith.cmpi uge, %select_n3A_194, %ge3A_633 : vector<64x200xi32>
    %jit3A_635 = arith.constant 1.000000e+00 : f32
    %jit3A_636 = arith.constant 0.000000e+00 : f32
    %broadcast_in_dim3A_637 = vector.broadcast %jit3A_635 : f32 to vector<64x200xf32>
    %broadcast_in_dim3A_638 = vector.broadcast %jit3A_636 : f32 to vector<64x200xf32>
    %select_n3A_639 = arith.select %ge3A_634, %broadcast_in_dim3A_637, %broadcast_in_dim3A_638 : vector<64x200xi1>, vector<64x200xf32>
    %reduce_sum3A_640 = arith.constant dense<0.000000e+00> : vector<64xf32>
    %reduce_sum3A_641 = vector.multi_reduction <add>, %select_n3A_639, %reduce_sum3A_640 [1] : vector<64x200xf32> to vector<64xf32>
    %broadcast_in_dim3A_642 = vector.shape_cast %reduce_sum3A_641 : vector<64xf32> to vector<64x1xf32>
    %ge3A_643 = arith.constant 3.150000e+01 : f32
    %ge3A_644 = vector.broadcast %ge3A_643 : f32 to vector<64x1xf32>
    %ge3A_645 = arith.cmpf oge, %broadcast_in_dim3A_622, %ge3A_644 : vector<64x1xf32>
    %ge3A_646 = arith.constant 3.150000e+01 : f32
    %ge3A_647 = vector.broadcast %ge3A_646 : f32 to vector<64x1xf32>
    %ge3A_648 = arith.cmpf oge, %broadcast_in_dim3A_642, %ge3A_647 : vector<64x1xf32>
    %select_n3A_649 = arith.select %ge3A_648, %or3A_612, %or3A_606 : vector<64x1xi1>, vector<64x1xi32>
    %ge3A_650 = arith.constant 3.150000e+01 : f32
    %ge3A_651 = vector.broadcast %ge3A_650 : f32 to vector<64x1xf32>
    %ge3A_652 = arith.cmpf oge, %broadcast_in_dim3A_632, %ge3A_651 : vector<64x1xf32>
    %select_n3A_653 = arith.select %ge3A_652, %or3A_609, %select_n3A_603 : vector<64x1xi1>, vector<64x1xi32>
    %select_n3A_654 = arith.select %ge3A_645, %select_n3A_649, %select_n3A_653 : vector<64x1xi1>, vector<64x1xi32>
    %or3A_655 = arith.constant 8192 : i32
    %or3A_656 = vector.broadcast %or3A_655 : i32 to vector<64x1xi32>
    %or3A_657 = arith.ori %select_n3A_654, %or3A_656 : vector<64x1xi32>
    %or3A_658 = arith.constant 4096 : i32
    %or3A_659 = vector.broadcast %or3A_658 : i32 to vector<64x1xi32>
    %or3A_660 = arith.ori %select_n3A_654, %or3A_659 : vector<64x1xi32>
    %or3A_661 = arith.constant 12288 : i32
    %or3A_662 = vector.broadcast %or3A_661 : i32 to vector<64x1xi32>
    %or3A_663 = arith.ori %select_n3A_654, %or3A_662 : vector<64x1xi32>
    %ge3A_664 = vector.broadcast %or3A_657 : vector<64x1xi32> to vector<64x200xi32>
    %ge3A_665 = arith.cmpi uge, %select_n3A_194, %ge3A_664 : vector<64x200xi32>
    %jit3A_666 = arith.constant 1.000000e+00 : f32
    %jit3A_667 = arith.constant 0.000000e+00 : f32
    %broadcast_in_dim3A_668 = vector.broadcast %jit3A_666 : f32 to vector<64x200xf32>
    %broadcast_in_dim3A_669 = vector.broadcast %jit3A_667 : f32 to vector<64x200xf32>
    %select_n3A_670 = arith.select %ge3A_665, %broadcast_in_dim3A_668, %broadcast_in_dim3A_669 : vector<64x200xi1>, vector<64x200xf32>
    %reduce_sum3A_671 = arith.constant dense<0.000000e+00> : vector<64xf32>
    %reduce_sum3A_672 = vector.multi_reduction <add>, %select_n3A_670, %reduce_sum3A_671 [1] : vector<64x200xf32> to vector<64xf32>
    %broadcast_in_dim3A_673 = vector.shape_cast %reduce_sum3A_672 : vector<64xf32> to vector<64x1xf32>
    %ge3A_674 = vector.broadcast %or3A_660 : vector<64x1xi32> to vector<64x200xi32>
    %ge3A_675 = arith.cmpi uge, %select_n3A_194, %ge3A_674 : vector<64x200xi32>
    %jit3A_676 = arith.constant 1.000000e+00 : f32
    %jit3A_677 = arith.constant 0.000000e+00 : f32
    %broadcast_in_dim3A_678 = vector.broadcast %jit3A_676 : f32 to vector<64x200xf32>
    %broadcast_in_dim3A_679 = vector.broadcast %jit3A_677 : f32 to vector<64x200xf32>
    %select_n3A_680 = arith.select %ge3A_675, %broadcast_in_dim3A_678, %broadcast_in_dim3A_679 : vector<64x200xi1>, vector<64x200xf32>
    %reduce_sum3A_681 = arith.constant dense<0.000000e+00> : vector<64xf32>
    %reduce_sum3A_682 = vector.multi_reduction <add>, %select_n3A_680, %reduce_sum3A_681 [1] : vector<64x200xf32> to vector<64xf32>
    %broadcast_in_dim3A_683 = vector.shape_cast %reduce_sum3A_682 : vector<64xf32> to vector<64x1xf32>
    %ge3A_684 = vector.broadcast %or3A_663 : vector<64x1xi32> to vector<64x200xi32>
    %ge3A_685 = arith.cmpi uge, %select_n3A_194, %ge3A_684 : vector<64x200xi32>
    %jit3A_686 = arith.constant 1.000000e+00 : f32
    %jit3A_687 = arith.constant 0.000000e+00 : f32
    %broadcast_in_dim3A_688 = vector.broadcast %jit3A_686 : f32 to vector<64x200xf32>
    %broadcast_in_dim3A_689 = vector.broadcast %jit3A_687 : f32 to vector<64x200xf32>
    %select_n3A_690 = arith.select %ge3A_685, %broadcast_in_dim3A_688, %broadcast_in_dim3A_689 : vector<64x200xi1>, vector<64x200xf32>
    %reduce_sum3A_691 = arith.constant dense<0.000000e+00> : vector<64xf32>
    %reduce_sum3A_692 = vector.multi_reduction <add>, %select_n3A_690, %reduce_sum3A_691 [1] : vector<64x200xf32> to vector<64xf32>
    %broadcast_in_dim3A_693 = vector.shape_cast %reduce_sum3A_692 : vector<64xf32> to vector<64x1xf32>
    %ge3A_694 = arith.constant 3.150000e+01 : f32
    %ge3A_695 = vector.broadcast %ge3A_694 : f32 to vector<64x1xf32>
    %ge3A_696 = arith.cmpf oge, %broadcast_in_dim3A_673, %ge3A_695 : vector<64x1xf32>
    %ge3A_697 = arith.constant 3.150000e+01 : f32
    %ge3A_698 = vector.broadcast %ge3A_697 : f32 to vector<64x1xf32>
    %ge3A_699 = arith.cmpf oge, %broadcast_in_dim3A_693, %ge3A_698 : vector<64x1xf32>
    %select_n3A_700 = arith.select %ge3A_699, %or3A_663, %or3A_657 : vector<64x1xi1>, vector<64x1xi32>
    %ge3A_701 = arith.constant 3.150000e+01 : f32
    %ge3A_702 = vector.broadcast %ge3A_701 : f32 to vector<64x1xf32>
    %ge3A_703 = arith.cmpf oge, %broadcast_in_dim3A_683, %ge3A_702 : vector<64x1xf32>
    %select_n3A_704 = arith.select %ge3A_703, %or3A_660, %select_n3A_654 : vector<64x1xi1>, vector<64x1xi32>
    %select_n3A_705 = arith.select %ge3A_696, %select_n3A_700, %select_n3A_704 : vector<64x1xi1>, vector<64x1xi32>
    %or3A_706 = arith.constant 2048 : i32
    %or3A_707 = vector.broadcast %or3A_706 : i32 to vector<64x1xi32>
    %or3A_708 = arith.ori %select_n3A_705, %or3A_707 : vector<64x1xi32>
    %or3A_709 = arith.constant 1024 : i32
    %or3A_710 = vector.broadcast %or3A_709 : i32 to vector<64x1xi32>
    %or3A_711 = arith.ori %select_n3A_705, %or3A_710 : vector<64x1xi32>
    %or3A_712 = arith.constant 3072 : i32
    %or3A_713 = vector.broadcast %or3A_712 : i32 to vector<64x1xi32>
    %or3A_714 = arith.ori %select_n3A_705, %or3A_713 : vector<64x1xi32>
    %ge3A_715 = vector.broadcast %or3A_708 : vector<64x1xi32> to vector<64x200xi32>
    %ge3A_716 = arith.cmpi uge, %select_n3A_194, %ge3A_715 : vector<64x200xi32>
    %jit3A_717 = arith.constant 1.000000e+00 : f32
    %jit3A_718 = arith.constant 0.000000e+00 : f32
    %broadcast_in_dim3A_719 = vector.broadcast %jit3A_717 : f32 to vector<64x200xf32>
    %broadcast_in_dim3A_720 = vector.broadcast %jit3A_718 : f32 to vector<64x200xf32>
    %select_n3A_721 = arith.select %ge3A_716, %broadcast_in_dim3A_719, %broadcast_in_dim3A_720 : vector<64x200xi1>, vector<64x200xf32>
    %reduce_sum3A_722 = arith.constant dense<0.000000e+00> : vector<64xf32>
    %reduce_sum3A_723 = vector.multi_reduction <add>, %select_n3A_721, %reduce_sum3A_722 [1] : vector<64x200xf32> to vector<64xf32>
    %broadcast_in_dim3A_724 = vector.shape_cast %reduce_sum3A_723 : vector<64xf32> to vector<64x1xf32>
    %ge3A_725 = vector.broadcast %or3A_711 : vector<64x1xi32> to vector<64x200xi32>
    %ge3A_726 = arith.cmpi uge, %select_n3A_194, %ge3A_725 : vector<64x200xi32>
    %jit3A_727 = arith.constant 1.000000e+00 : f32
    %jit3A_728 = arith.constant 0.000000e+00 : f32
    %broadcast_in_dim3A_729 = vector.broadcast %jit3A_727 : f32 to vector<64x200xf32>
    %broadcast_in_dim3A_730 = vector.broadcast %jit3A_728 : f32 to vector<64x200xf32>
    %select_n3A_731 = arith.select %ge3A_726, %broadcast_in_dim3A_729, %broadcast_in_dim3A_730 : vector<64x200xi1>, vector<64x200xf32>
    %reduce_sum3A_732 = arith.constant dense<0.000000e+00> : vector<64xf32>
    %reduce_sum3A_733 = vector.multi_reduction <add>, %select_n3A_731, %reduce_sum3A_732 [1] : vector<64x200xf32> to vector<64xf32>
    %broadcast_in_dim3A_734 = vector.shape_cast %reduce_sum3A_733 : vector<64xf32> to vector<64x1xf32>
    %ge3A_735 = vector.broadcast %or3A_714 : vector<64x1xi32> to vector<64x200xi32>
    %ge3A_736 = arith.cmpi uge, %select_n3A_194, %ge3A_735 : vector<64x200xi32>
    %jit3A_737 = arith.constant 1.000000e+00 : f32
    %jit3A_738 = arith.constant 0.000000e+00 : f32
    %broadcast_in_dim3A_739 = vector.broadcast %jit3A_737 : f32 to vector<64x200xf32>
    %broadcast_in_dim3A_740 = vector.broadcast %jit3A_738 : f32 to vector<64x200xf32>
    %select_n3A_741 = arith.select %ge3A_736, %broadcast_in_dim3A_739, %broadcast_in_dim3A_740 : vector<64x200xi1>, vector<64x200xf32>
    %reduce_sum3A_742 = arith.constant dense<0.000000e+00> : vector<64xf32>
    %reduce_sum3A_743 = vector.multi_reduction <add>, %select_n3A_741, %reduce_sum3A_742 [1] : vector<64x200xf32> to vector<64xf32>
    %broadcast_in_dim3A_744 = vector.shape_cast %reduce_sum3A_743 : vector<64xf32> to vector<64x1xf32>
    %ge3A_745 = arith.constant 3.150000e+01 : f32
    %ge3A_746 = vector.broadcast %ge3A_745 : f32 to vector<64x1xf32>
    %ge3A_747 = arith.cmpf oge, %broadcast_in_dim3A_724, %ge3A_746 : vector<64x1xf32>
    %ge3A_748 = arith.constant 3.150000e+01 : f32
    %ge3A_749 = vector.broadcast %ge3A_748 : f32 to vector<64x1xf32>
    %ge3A_750 = arith.cmpf oge, %broadcast_in_dim3A_744, %ge3A_749 : vector<64x1xf32>
    %select_n3A_751 = arith.select %ge3A_750, %or3A_714, %or3A_708 : vector<64x1xi1>, vector<64x1xi32>
    %ge3A_752 = arith.constant 3.150000e+01 : f32
    %ge3A_753 = vector.broadcast %ge3A_752 : f32 to vector<64x1xf32>
    %ge3A_754 = arith.cmpf oge, %broadcast_in_dim3A_734, %ge3A_753 : vector<64x1xf32>
    %select_n3A_755 = arith.select %ge3A_754, %or3A_711, %select_n3A_705 : vector<64x1xi1>, vector<64x1xi32>
    %select_n3A_756 = arith.select %ge3A_747, %select_n3A_751, %select_n3A_755 : vector<64x1xi1>, vector<64x1xi32>
    %or3A_757 = arith.constant 512 : i32
    %or3A_758 = vector.broadcast %or3A_757 : i32 to vector<64x1xi32>
    %or3A_759 = arith.ori %select_n3A_756, %or3A_758 : vector<64x1xi32>
    %or3A_760 = arith.constant 256 : i32
    %or3A_761 = vector.broadcast %or3A_760 : i32 to vector<64x1xi32>
    %or3A_762 = arith.ori %select_n3A_756, %or3A_761 : vector<64x1xi32>
    %or3A_763 = arith.constant 768 : i32
    %or3A_764 = vector.broadcast %or3A_763 : i32 to vector<64x1xi32>
    %or3A_765 = arith.ori %select_n3A_756, %or3A_764 : vector<64x1xi32>
    %ge3A_766 = vector.broadcast %or3A_759 : vector<64x1xi32> to vector<64x200xi32>
    %ge3A_767 = arith.cmpi uge, %select_n3A_194, %ge3A_766 : vector<64x200xi32>
    %jit3A_768 = arith.constant 1.000000e+00 : f32
    %jit3A_769 = arith.constant 0.000000e+00 : f32
    %broadcast_in_dim3A_770 = vector.broadcast %jit3A_768 : f32 to vector<64x200xf32>
    %broadcast_in_dim3A_771 = vector.broadcast %jit3A_769 : f32 to vector<64x200xf32>
    %select_n3A_772 = arith.select %ge3A_767, %broadcast_in_dim3A_770, %broadcast_in_dim3A_771 : vector<64x200xi1>, vector<64x200xf32>
    %reduce_sum3A_773 = arith.constant dense<0.000000e+00> : vector<64xf32>
    %reduce_sum3A_774 = vector.multi_reduction <add>, %select_n3A_772, %reduce_sum3A_773 [1] : vector<64x200xf32> to vector<64xf32>
    %broadcast_in_dim3A_775 = vector.shape_cast %reduce_sum3A_774 : vector<64xf32> to vector<64x1xf32>
    %ge3A_776 = vector.broadcast %or3A_762 : vector<64x1xi32> to vector<64x200xi32>
    %ge3A_777 = arith.cmpi uge, %select_n3A_194, %ge3A_776 : vector<64x200xi32>
    %jit3A_778 = arith.constant 1.000000e+00 : f32
    %jit3A_779 = arith.constant 0.000000e+00 : f32
    %broadcast_in_dim3A_780 = vector.broadcast %jit3A_778 : f32 to vector<64x200xf32>
    %broadcast_in_dim3A_781 = vector.broadcast %jit3A_779 : f32 to vector<64x200xf32>
    %select_n3A_782 = arith.select %ge3A_777, %broadcast_in_dim3A_780, %broadcast_in_dim3A_781 : vector<64x200xi1>, vector<64x200xf32>
    %reduce_sum3A_783 = arith.constant dense<0.000000e+00> : vector<64xf32>
    %reduce_sum3A_784 = vector.multi_reduction <add>, %select_n3A_782, %reduce_sum3A_783 [1] : vector<64x200xf32> to vector<64xf32>
    %broadcast_in_dim3A_785 = vector.shape_cast %reduce_sum3A_784 : vector<64xf32> to vector<64x1xf32>
    %ge3A_786 = vector.broadcast %or3A_765 : vector<64x1xi32> to vector<64x200xi32>
    %ge3A_787 = arith.cmpi uge, %select_n3A_194, %ge3A_786 : vector<64x200xi32>
    %jit3A_788 = arith.constant 1.000000e+00 : f32
    %jit3A_789 = arith.constant 0.000000e+00 : f32
    %broadcast_in_dim3A_790 = vector.broadcast %jit3A_788 : f32 to vector<64x200xf32>
    %broadcast_in_dim3A_791 = vector.broadcast %jit3A_789 : f32 to vector<64x200xf32>
    %select_n3A_792 = arith.select %ge3A_787, %broadcast_in_dim3A_790, %broadcast_in_dim3A_791 : vector<64x200xi1>, vector<64x200xf32>
    %reduce_sum3A_793 = arith.constant dense<0.000000e+00> : vector<64xf32>
    %reduce_sum3A_794 = vector.multi_reduction <add>, %select_n3A_792, %reduce_sum3A_793 [1] : vector<64x200xf32> to vector<64xf32>
    %broadcast_in_dim3A_795 = vector.shape_cast %reduce_sum3A_794 : vector<64xf32> to vector<64x1xf32>
    %ge3A_796 = arith.constant 3.150000e+01 : f32
    %ge3A_797 = vector.broadcast %ge3A_796 : f32 to vector<64x1xf32>
    %ge3A_798 = arith.cmpf oge, %broadcast_in_dim3A_775, %ge3A_797 : vector<64x1xf32>
    %ge3A_799 = arith.constant 3.150000e+01 : f32
    %ge3A_800 = vector.broadcast %ge3A_799 : f32 to vector<64x1xf32>
    %ge3A_801 = arith.cmpf oge, %broadcast_in_dim3A_795, %ge3A_800 : vector<64x1xf32>
    %select_n3A_802 = arith.select %ge3A_801, %or3A_765, %or3A_759 : vector<64x1xi1>, vector<64x1xi32>
    %ge3A_803 = arith.constant 3.150000e+01 : f32
    %ge3A_804 = vector.broadcast %ge3A_803 : f32 to vector<64x1xf32>
    %ge3A_805 = arith.cmpf oge, %broadcast_in_dim3A_785, %ge3A_804 : vector<64x1xf32>
    %select_n3A_806 = arith.select %ge3A_805, %or3A_762, %select_n3A_756 : vector<64x1xi1>, vector<64x1xi32>
    %select_n3A_807 = arith.select %ge3A_798, %select_n3A_802, %select_n3A_806 : vector<64x1xi1>, vector<64x1xi32>
    %or3A_808 = arith.constant 128 : i32
    %or3A_809 = vector.broadcast %or3A_808 : i32 to vector<64x1xi32>
    %or3A_810 = arith.ori %select_n3A_807, %or3A_809 : vector<64x1xi32>
    %or3A_811 = arith.constant 64 : i32
    %or3A_812 = vector.broadcast %or3A_811 : i32 to vector<64x1xi32>
    %or3A_813 = arith.ori %select_n3A_807, %or3A_812 : vector<64x1xi32>
    %or3A_814 = arith.constant 192 : i32
    %or3A_815 = vector.broadcast %or3A_814 : i32 to vector<64x1xi32>
    %or3A_816 = arith.ori %select_n3A_807, %or3A_815 : vector<64x1xi32>
    %ge3A_817 = vector.broadcast %or3A_810 : vector<64x1xi32> to vector<64x200xi32>
    %ge3A_818 = arith.cmpi uge, %select_n3A_194, %ge3A_817 : vector<64x200xi32>
    %jit3A_819 = arith.constant 1.000000e+00 : f32
    %jit3A_820 = arith.constant 0.000000e+00 : f32
    %broadcast_in_dim3A_821 = vector.broadcast %jit3A_819 : f32 to vector<64x200xf32>
    %broadcast_in_dim3A_822 = vector.broadcast %jit3A_820 : f32 to vector<64x200xf32>
    %select_n3A_823 = arith.select %ge3A_818, %broadcast_in_dim3A_821, %broadcast_in_dim3A_822 : vector<64x200xi1>, vector<64x200xf32>
    %reduce_sum3A_824 = arith.constant dense<0.000000e+00> : vector<64xf32>
    %reduce_sum3A_825 = vector.multi_reduction <add>, %select_n3A_823, %reduce_sum3A_824 [1] : vector<64x200xf32> to vector<64xf32>
    %broadcast_in_dim3A_826 = vector.shape_cast %reduce_sum3A_825 : vector<64xf32> to vector<64x1xf32>
    %ge3A_827 = vector.broadcast %or3A_813 : vector<64x1xi32> to vector<64x200xi32>
    %ge3A_828 = arith.cmpi uge, %select_n3A_194, %ge3A_827 : vector<64x200xi32>
    %jit3A_829 = arith.constant 1.000000e+00 : f32
    %jit3A_830 = arith.constant 0.000000e+00 : f32
    %broadcast_in_dim3A_831 = vector.broadcast %jit3A_829 : f32 to vector<64x200xf32>
    %broadcast_in_dim3A_832 = vector.broadcast %jit3A_830 : f32 to vector<64x200xf32>
    %select_n3A_833 = arith.select %ge3A_828, %broadcast_in_dim3A_831, %broadcast_in_dim3A_832 : vector<64x200xi1>, vector<64x200xf32>
    %reduce_sum3A_834 = arith.constant dense<0.000000e+00> : vector<64xf32>
    %reduce_sum3A_835 = vector.multi_reduction <add>, %select_n3A_833, %reduce_sum3A_834 [1] : vector<64x200xf32> to vector<64xf32>
    %broadcast_in_dim3A_836 = vector.shape_cast %reduce_sum3A_835 : vector<64xf32> to vector<64x1xf32>
    %ge3A_837 = vector.broadcast %or3A_816 : vector<64x1xi32> to vector<64x200xi32>
    %ge3A_838 = arith.cmpi uge, %select_n3A_194, %ge3A_837 : vector<64x200xi32>
    %jit3A_839 = arith.constant 1.000000e+00 : f32
    %jit3A_840 = arith.constant 0.000000e+00 : f32
    %broadcast_in_dim3A_841 = vector.broadcast %jit3A_839 : f32 to vector<64x200xf32>
    %broadcast_in_dim3A_842 = vector.broadcast %jit3A_840 : f32 to vector<64x200xf32>
    %select_n3A_843 = arith.select %ge3A_838, %broadcast_in_dim3A_841, %broadcast_in_dim3A_842 : vector<64x200xi1>, vector<64x200xf32>
    %reduce_sum3A_844 = arith.constant dense<0.000000e+00> : vector<64xf32>
    %reduce_sum3A_845 = vector.multi_reduction <add>, %select_n3A_843, %reduce_sum3A_844 [1] : vector<64x200xf32> to vector<64xf32>
    %broadcast_in_dim3A_846 = vector.shape_cast %reduce_sum3A_845 : vector<64xf32> to vector<64x1xf32>
    %ge3A_847 = arith.constant 3.150000e+01 : f32
    %ge3A_848 = vector.broadcast %ge3A_847 : f32 to vector<64x1xf32>
    %ge3A_849 = arith.cmpf oge, %broadcast_in_dim3A_826, %ge3A_848 : vector<64x1xf32>
    %ge3A_850 = arith.constant 3.150000e+01 : f32
    %ge3A_851 = vector.broadcast %ge3A_850 : f32 to vector<64x1xf32>
    %ge3A_852 = arith.cmpf oge, %broadcast_in_dim3A_846, %ge3A_851 : vector<64x1xf32>
    %select_n3A_853 = arith.select %ge3A_852, %or3A_816, %or3A_810 : vector<64x1xi1>, vector<64x1xi32>
    %ge3A_854 = arith.constant 3.150000e+01 : f32
    %ge3A_855 = vector.broadcast %ge3A_854 : f32 to vector<64x1xf32>
    %ge3A_856 = arith.cmpf oge, %broadcast_in_dim3A_836, %ge3A_855 : vector<64x1xf32>
    %select_n3A_857 = arith.select %ge3A_856, %or3A_813, %select_n3A_807 : vector<64x1xi1>, vector<64x1xi32>
    %select_n3A_858 = arith.select %ge3A_849, %select_n3A_853, %select_n3A_857 : vector<64x1xi1>, vector<64x1xi32>
    %or3A_859 = arith.constant 32 : i32
    %or3A_860 = vector.broadcast %or3A_859 : i32 to vector<64x1xi32>
    %or3A_861 = arith.ori %select_n3A_858, %or3A_860 : vector<64x1xi32>
    %or3A_862 = arith.constant 16 : i32
    %or3A_863 = vector.broadcast %or3A_862 : i32 to vector<64x1xi32>
    %or3A_864 = arith.ori %select_n3A_858, %or3A_863 : vector<64x1xi32>
    %or3A_865 = arith.constant 48 : i32
    %or3A_866 = vector.broadcast %or3A_865 : i32 to vector<64x1xi32>
    %or3A_867 = arith.ori %select_n3A_858, %or3A_866 : vector<64x1xi32>
    %ge3A_868 = vector.broadcast %or3A_861 : vector<64x1xi32> to vector<64x200xi32>
    %ge3A_869 = arith.cmpi uge, %select_n3A_194, %ge3A_868 : vector<64x200xi32>
    %jit3A_870 = arith.constant 1.000000e+00 : f32
    %jit3A_871 = arith.constant 0.000000e+00 : f32
    %broadcast_in_dim3A_872 = vector.broadcast %jit3A_870 : f32 to vector<64x200xf32>
    %broadcast_in_dim3A_873 = vector.broadcast %jit3A_871 : f32 to vector<64x200xf32>
    %select_n3A_874 = arith.select %ge3A_869, %broadcast_in_dim3A_872, %broadcast_in_dim3A_873 : vector<64x200xi1>, vector<64x200xf32>
    %reduce_sum3A_875 = arith.constant dense<0.000000e+00> : vector<64xf32>
    %reduce_sum3A_876 = vector.multi_reduction <add>, %select_n3A_874, %reduce_sum3A_875 [1] : vector<64x200xf32> to vector<64xf32>
    %broadcast_in_dim3A_877 = vector.shape_cast %reduce_sum3A_876 : vector<64xf32> to vector<64x1xf32>
    %ge3A_878 = vector.broadcast %or3A_864 : vector<64x1xi32> to vector<64x200xi32>
    %ge3A_879 = arith.cmpi uge, %select_n3A_194, %ge3A_878 : vector<64x200xi32>
    %jit3A_880 = arith.constant 1.000000e+00 : f32
    %jit3A_881 = arith.constant 0.000000e+00 : f32
    %broadcast_in_dim3A_882 = vector.broadcast %jit3A_880 : f32 to vector<64x200xf32>
    %broadcast_in_dim3A_883 = vector.broadcast %jit3A_881 : f32 to vector<64x200xf32>
    %select_n3A_884 = arith.select %ge3A_879, %broadcast_in_dim3A_882, %broadcast_in_dim3A_883 : vector<64x200xi1>, vector<64x200xf32>
    %reduce_sum3A_885 = arith.constant dense<0.000000e+00> : vector<64xf32>
    %reduce_sum3A_886 = vector.multi_reduction <add>, %select_n3A_884, %reduce_sum3A_885 [1] : vector<64x200xf32> to vector<64xf32>
    %broadcast_in_dim3A_887 = vector.shape_cast %reduce_sum3A_886 : vector<64xf32> to vector<64x1xf32>
    %ge3A_888 = vector.broadcast %or3A_867 : vector<64x1xi32> to vector<64x200xi32>
    %ge3A_889 = arith.cmpi uge, %select_n3A_194, %ge3A_888 : vector<64x200xi32>
    %jit3A_890 = arith.constant 1.000000e+00 : f32
    %jit3A_891 = arith.constant 0.000000e+00 : f32
    %broadcast_in_dim3A_892 = vector.broadcast %jit3A_890 : f32 to vector<64x200xf32>
    %broadcast_in_dim3A_893 = vector.broadcast %jit3A_891 : f32 to vector<64x200xf32>
    %select_n3A_894 = arith.select %ge3A_889, %broadcast_in_dim3A_892, %broadcast_in_dim3A_893 : vector<64x200xi1>, vector<64x200xf32>
    %reduce_sum3A_895 = arith.constant dense<0.000000e+00> : vector<64xf32>
    %reduce_sum3A_896 = vector.multi_reduction <add>, %select_n3A_894, %reduce_sum3A_895 [1] : vector<64x200xf32> to vector<64xf32>
    %broadcast_in_dim3A_897 = vector.shape_cast %reduce_sum3A_896 : vector<64xf32> to vector<64x1xf32>
    %ge3A_898 = arith.constant 3.150000e+01 : f32
    %ge3A_899 = vector.broadcast %ge3A_898 : f32 to vector<64x1xf32>
    %ge3A_900 = arith.cmpf oge, %broadcast_in_dim3A_877, %ge3A_899 : vector<64x1xf32>
    %ge3A_901 = arith.constant 3.150000e+01 : f32
    %ge3A_902 = vector.broadcast %ge3A_901 : f32 to vector<64x1xf32>
    %ge3A_903 = arith.cmpf oge, %broadcast_in_dim3A_897, %ge3A_902 : vector<64x1xf32>
    %select_n3A_904 = arith.select %ge3A_903, %or3A_867, %or3A_861 : vector<64x1xi1>, vector<64x1xi32>
    %ge3A_905 = arith.constant 3.150000e+01 : f32
    %ge3A_906 = vector.broadcast %ge3A_905 : f32 to vector<64x1xf32>
    %ge3A_907 = arith.cmpf oge, %broadcast_in_dim3A_887, %ge3A_906 : vector<64x1xf32>
    %select_n3A_908 = arith.select %ge3A_907, %or3A_864, %select_n3A_858 : vector<64x1xi1>, vector<64x1xi32>
    %select_n3A_909 = arith.select %ge3A_900, %select_n3A_904, %select_n3A_908 : vector<64x1xi1>, vector<64x1xi32>
    %or3A_910 = arith.constant 8 : i32
    %or3A_911 = vector.broadcast %or3A_910 : i32 to vector<64x1xi32>
    %or3A_912 = arith.ori %select_n3A_909, %or3A_911 : vector<64x1xi32>
    %or3A_913 = arith.constant 4 : i32
    %or3A_914 = vector.broadcast %or3A_913 : i32 to vector<64x1xi32>
    %or3A_915 = arith.ori %select_n3A_909, %or3A_914 : vector<64x1xi32>
    %or3A_916 = arith.constant 12 : i32
    %or3A_917 = vector.broadcast %or3A_916 : i32 to vector<64x1xi32>
    %or3A_918 = arith.ori %select_n3A_909, %or3A_917 : vector<64x1xi32>
    %ge3A_919 = vector.broadcast %or3A_912 : vector<64x1xi32> to vector<64x200xi32>
    %ge3A_920 = arith.cmpi uge, %select_n3A_194, %ge3A_919 : vector<64x200xi32>
    %jit3A_921 = arith.constant 1.000000e+00 : f32
    %jit3A_922 = arith.constant 0.000000e+00 : f32
    %broadcast_in_dim3A_923 = vector.broadcast %jit3A_921 : f32 to vector<64x200xf32>
    %broadcast_in_dim3A_924 = vector.broadcast %jit3A_922 : f32 to vector<64x200xf32>
    %select_n3A_925 = arith.select %ge3A_920, %broadcast_in_dim3A_923, %broadcast_in_dim3A_924 : vector<64x200xi1>, vector<64x200xf32>
    %reduce_sum3A_926 = arith.constant dense<0.000000e+00> : vector<64xf32>
    %reduce_sum3A_927 = vector.multi_reduction <add>, %select_n3A_925, %reduce_sum3A_926 [1] : vector<64x200xf32> to vector<64xf32>
    %broadcast_in_dim3A_928 = vector.shape_cast %reduce_sum3A_927 : vector<64xf32> to vector<64x1xf32>
    %ge3A_929 = vector.broadcast %or3A_915 : vector<64x1xi32> to vector<64x200xi32>
    %ge3A_930 = arith.cmpi uge, %select_n3A_194, %ge3A_929 : vector<64x200xi32>
    %jit3A_931 = arith.constant 1.000000e+00 : f32
    %jit3A_932 = arith.constant 0.000000e+00 : f32
    %broadcast_in_dim3A_933 = vector.broadcast %jit3A_931 : f32 to vector<64x200xf32>
    %broadcast_in_dim3A_934 = vector.broadcast %jit3A_932 : f32 to vector<64x200xf32>
    %select_n3A_935 = arith.select %ge3A_930, %broadcast_in_dim3A_933, %broadcast_in_dim3A_934 : vector<64x200xi1>, vector<64x200xf32>
    %reduce_sum3A_936 = arith.constant dense<0.000000e+00> : vector<64xf32>
    %reduce_sum3A_937 = vector.multi_reduction <add>, %select_n3A_935, %reduce_sum3A_936 [1] : vector<64x200xf32> to vector<64xf32>
    %broadcast_in_dim3A_938 = vector.shape_cast %reduce_sum3A_937 : vector<64xf32> to vector<64x1xf32>
    %ge3A_939 = vector.broadcast %or3A_918 : vector<64x1xi32> to vector<64x200xi32>
    %ge3A_940 = arith.cmpi uge, %select_n3A_194, %ge3A_939 : vector<64x200xi32>
    %jit3A_941 = arith.constant 1.000000e+00 : f32
    %jit3A_942 = arith.constant 0.000000e+00 : f32
    %broadcast_in_dim3A_943 = vector.broadcast %jit3A_941 : f32 to vector<64x200xf32>
    %broadcast_in_dim3A_944 = vector.broadcast %jit3A_942 : f32 to vector<64x200xf32>
    %select_n3A_945 = arith.select %ge3A_940, %broadcast_in_dim3A_943, %broadcast_in_dim3A_944 : vector<64x200xi1>, vector<64x200xf32>
    %reduce_sum3A_946 = arith.constant dense<0.000000e+00> : vector<64xf32>
    %reduce_sum3A_947 = vector.multi_reduction <add>, %select_n3A_945, %reduce_sum3A_946 [1] : vector<64x200xf32> to vector<64xf32>
    %broadcast_in_dim3A_948 = vector.shape_cast %reduce_sum3A_947 : vector<64xf32> to vector<64x1xf32>
    %ge3A_949 = arith.constant 3.150000e+01 : f32
    %ge3A_950 = vector.broadcast %ge3A_949 : f32 to vector<64x1xf32>
    %ge3A_951 = arith.cmpf oge, %broadcast_in_dim3A_928, %ge3A_950 : vector<64x1xf32>
    %ge3A_952 = arith.constant 3.150000e+01 : f32
    %ge3A_953 = vector.broadcast %ge3A_952 : f32 to vector<64x1xf32>
    %ge3A_954 = arith.cmpf oge, %broadcast_in_dim3A_948, %ge3A_953 : vector<64x1xf32>
    %select_n3A_955 = arith.select %ge3A_954, %or3A_918, %or3A_912 : vector<64x1xi1>, vector<64x1xi32>
    %ge3A_956 = arith.constant 3.150000e+01 : f32
    %ge3A_957 = vector.broadcast %ge3A_956 : f32 to vector<64x1xf32>
    %ge3A_958 = arith.cmpf oge, %broadcast_in_dim3A_938, %ge3A_957 : vector<64x1xf32>
    %select_n3A_959 = arith.select %ge3A_958, %or3A_915, %select_n3A_909 : vector<64x1xi1>, vector<64x1xi32>
    %select_n3A_960 = arith.select %ge3A_951, %select_n3A_955, %select_n3A_959 : vector<64x1xi1>, vector<64x1xi32>
    %or3A_961 = arith.constant 2 : i32
    %or3A_962 = vector.broadcast %or3A_961 : i32 to vector<64x1xi32>
    %or3A_963 = arith.ori %select_n3A_960, %or3A_962 : vector<64x1xi32>
    %or3A_964 = arith.constant 1 : i32
    %or3A_965 = vector.broadcast %or3A_964 : i32 to vector<64x1xi32>
    %or3A_966 = arith.ori %select_n3A_960, %or3A_965 : vector<64x1xi32>
    %or3A_967 = arith.constant 3 : i32
    %or3A_968 = vector.broadcast %or3A_967 : i32 to vector<64x1xi32>
    %or3A_969 = arith.ori %select_n3A_960, %or3A_968 : vector<64x1xi32>
    %ge3A_970 = vector.broadcast %or3A_963 : vector<64x1xi32> to vector<64x200xi32>
    %ge3A_971 = arith.cmpi uge, %select_n3A_194, %ge3A_970 : vector<64x200xi32>
    %jit3A_972 = arith.constant 1.000000e+00 : f32
    %jit3A_973 = arith.constant 0.000000e+00 : f32
    %broadcast_in_dim3A_974 = vector.broadcast %jit3A_972 : f32 to vector<64x200xf32>
    %broadcast_in_dim3A_975 = vector.broadcast %jit3A_973 : f32 to vector<64x200xf32>
    %select_n3A_976 = arith.select %ge3A_971, %broadcast_in_dim3A_974, %broadcast_in_dim3A_975 : vector<64x200xi1>, vector<64x200xf32>
    %reduce_sum3A_977 = arith.constant dense<0.000000e+00> : vector<64xf32>
    %reduce_sum3A_978 = vector.multi_reduction <add>, %select_n3A_976, %reduce_sum3A_977 [1] : vector<64x200xf32> to vector<64xf32>
    %broadcast_in_dim3A_979 = vector.shape_cast %reduce_sum3A_978 : vector<64xf32> to vector<64x1xf32>
    %ge3A_980 = vector.broadcast %or3A_966 : vector<64x1xi32> to vector<64x200xi32>
    %ge3A_981 = arith.cmpi uge, %select_n3A_194, %ge3A_980 : vector<64x200xi32>
    %jit3A_982 = arith.constant 1.000000e+00 : f32
    %jit3A_983 = arith.constant 0.000000e+00 : f32
    %broadcast_in_dim3A_984 = vector.broadcast %jit3A_982 : f32 to vector<64x200xf32>
    %broadcast_in_dim3A_985 = vector.broadcast %jit3A_983 : f32 to vector<64x200xf32>
    %select_n3A_986 = arith.select %ge3A_981, %broadcast_in_dim3A_984, %broadcast_in_dim3A_985 : vector<64x200xi1>, vector<64x200xf32>
    %reduce_sum3A_987 = arith.constant dense<0.000000e+00> : vector<64xf32>
    %reduce_sum3A_988 = vector.multi_reduction <add>, %select_n3A_986, %reduce_sum3A_987 [1] : vector<64x200xf32> to vector<64xf32>
    %broadcast_in_dim3A_989 = vector.shape_cast %reduce_sum3A_988 : vector<64xf32> to vector<64x1xf32>
    %ge3A_990 = vector.broadcast %or3A_969 : vector<64x1xi32> to vector<64x200xi32>
    %ge3A_991 = arith.cmpi uge, %select_n3A_194, %ge3A_990 : vector<64x200xi32>
    %jit3A_992 = arith.constant 1.000000e+00 : f32
    %jit3A_993 = arith.constant 0.000000e+00 : f32
    %broadcast_in_dim3A_994 = vector.broadcast %jit3A_992 : f32 to vector<64x200xf32>
    %broadcast_in_dim3A_995 = vector.broadcast %jit3A_993 : f32 to vector<64x200xf32>
    %select_n3A_996 = arith.select %ge3A_991, %broadcast_in_dim3A_994, %broadcast_in_dim3A_995 : vector<64x200xi1>, vector<64x200xf32>
    %reduce_sum3A_997 = arith.constant dense<0.000000e+00> : vector<64xf32>
    %reduce_sum3A_998 = vector.multi_reduction <add>, %select_n3A_996, %reduce_sum3A_997 [1] : vector<64x200xf32> to vector<64xf32>
    %broadcast_in_dim3A_999 = vector.shape_cast %reduce_sum3A_998 : vector<64xf32> to vector<64x1xf32>
    %ge3A_1000 = arith.constant 3.150000e+01 : f32
    %ge3A_1001 = vector.broadcast %ge3A_1000 : f32 to vector<64x1xf32>
    %ge3A_1002 = arith.cmpf oge, %broadcast_in_dim3A_979, %ge3A_1001 : vector<64x1xf32>
    %ge3A_1003 = arith.constant 3.150000e+01 : f32
    %ge3A_1004 = vector.broadcast %ge3A_1003 : f32 to vector<64x1xf32>
    %ge3A_1005 = arith.cmpf oge, %broadcast_in_dim3A_999, %ge3A_1004 : vector<64x1xf32>
    %select_n3A_1006 = arith.select %ge3A_1005, %or3A_969, %or3A_963 : vector<64x1xi1>, vector<64x1xi32>
    %ge3A_1007 = arith.constant 3.150000e+01 : f32
    %ge3A_1008 = vector.broadcast %ge3A_1007 : f32 to vector<64x1xf32>
    %ge3A_1009 = arith.cmpf oge, %broadcast_in_dim3A_989, %ge3A_1008 : vector<64x1xf32>
    %select_n3A_1010 = arith.select %ge3A_1009, %or3A_966, %select_n3A_960 : vector<64x1xi1>, vector<64x1xi32>
    %select_n3A_1011 = arith.select %ge3A_1002, %select_n3A_1006, %select_n3A_1010 : vector<64x1xi1>, vector<64x1xi32>
    %gt3A = vector.broadcast %select_n3A_1011 : vector<64x1xi32> to vector<64x200xi32>
    %gt3A_1012 = arith.cmpi ugt, %select_n3A_194, %gt3A : vector<64x200xi32>
    %jit3A_1013 = arith.constant 1.000000e+00 : f32
    %jit3A_1014 = arith.constant 0.000000e+00 : f32
    %broadcast_in_dim3A_1015 = vector.broadcast %jit3A_1013 : f32 to vector<64x200xf32>
    %broadcast_in_dim3A_1016 = vector.broadcast %jit3A_1014 : f32 to vector<64x200xf32>
    %select_n3A_1017 = arith.select %gt3A_1012, %broadcast_in_dim3A_1015, %broadcast_in_dim3A_1016 : vector<64x200xi1>, vector<64x200xf32>
    %reduce_sum3A_1018 = arith.constant dense<0.000000e+00> : vector<64xf32>
    %reduce_sum3A_1019 = vector.multi_reduction <add>, %select_n3A_1017, %reduce_sum3A_1018 [1] : vector<64x200xf32> to vector<64xf32>
    %broadcast_in_dim3A_1020 = vector.shape_cast %reduce_sum3A_1019 : vector<64xf32> to vector<64x1xf32>
    %sub3A = arith.constant 3.200000e+01 : f32
    %sub3A_1021 = vector.broadcast %sub3A : f32 to vector<64x1xf32>
    %sub3A_1022 = arith.subf %sub3A_1021, %broadcast_in_dim3A_1020 : vector<64x1xf32>
    %eq3A_1023 = vector.broadcast %select_n3A_1011 : vector<64x1xi32> to vector<64x200xi32>
    %eq3A_1024 = arith.cmpi eq, %select_n3A_194, %eq3A_1023 : vector<64x200xi32>
    %iota3A_1025 = tpu.iota {dimensions = array<i32: 0>} : vector<200x200xi32>
    %iota3A_1026 = tpu.iota {dimensions = array<i32: 1>} : vector<200x200xi32>
    %lt3A_1027 = arith.cmpi slt, %iota3A_1025, %iota3A_1026 : vector<200x200xi32>
    %convert_element_type3A = arith.extui %lt3A_1027 : vector<200x200xi1> to vector<200x200xi32>
    %convert_element_type3A_1028 = arith.sitofp %convert_element_type3A : vector<200x200xi32> to vector<200x200xf32>
    %convert_element_type3A_1029 = arith.extui %eq3A_1024 : vector<64x200xi1> to vector<64x200xi32>
    %convert_element_type3A_1030 = arith.sitofp %convert_element_type3A_1029 : vector<64x200xi32> to vector<64x200xf32>
    %dot_general3A_1031 = arith.constant dense<0.000000e+00> : vector<64x200xf32>
    %dot_general3A_1032 = tpu.matmul %convert_element_type3A_1030, %convert_element_type3A_1028, %dot_general3A_1031 {dimension_numbers = #tpu.dot_dimension_numbers<[1], [0], [0], [1], [0, 0, 1, 1], [], []>, transpose_lhs_hint = false} : vector<64x200xf32>, vector<200x200xf32>, vector<64x200xf32> -> vector<64x200xf32>
    %lt3A_1033 = vector.broadcast %sub3A_1022 : vector<64x1xf32> to vector<64x200xf32>
    %lt3A_1034 = arith.cmpf olt, %dot_general3A_1032, %lt3A_1033 : vector<64x200xf32>
    %and3A_1035 = arith.andi %eq3A_1024, %lt3A_1034 : vector<64x200xi1>
    %or3A_1036 = arith.ori %gt3A_1012, %and3A_1035 : vector<64x200xi1>
    %reduce_max3A = arith.constant dense<0xFF800000> : vector<64xf32>
    %reduce_max3A_1037 = vector.multi_reduction <maximumf>, %mul3A_188, %reduce_max3A [1] : vector<64x200xf32> to vector<64xf32>
    %broadcast_in_dim3A_1038 = vector.shape_cast %reduce_max3A_1037 : vector<64xf32> to vector<64x1xf32>
    %sub3A_1039 = vector.broadcast %broadcast_in_dim3A_1038 : vector<64x1xf32> to vector<64x200xf32>
    %sub3A_1040 = arith.subf %mul3A_188, %sub3A_1039 : vector<64x200xf32>
    %exp3A = math.exp %sub3A_1040 : vector<64x200xf32>
    %jit3A_1041 = arith.constant 0.000000e+00 : f32
    %broadcast_in_dim3A_1042 = vector.broadcast %jit3A_1041 : f32 to vector<64x200xf32>
    %select_n3A_1043 = arith.select %or3A_1036, %exp3A, %broadcast_in_dim3A_1042 : vector<64x200xi1>, vector<64x200xf32>
    %reduce_sum3A_1044 = arith.constant dense<0.000000e+00> : vector<64xf32>
    %reduce_sum3A_1045 = vector.multi_reduction <add>, %select_n3A_1043, %reduce_sum3A_1044 [1] : vector<64x200xf32> to vector<64xf32>
    %broadcast_in_dim3A_1046 = vector.shape_cast %reduce_sum3A_1045 : vector<64xf32> to vector<64x1xf32>
    %div3A = vector.broadcast %broadcast_in_dim3A_1046 : vector<64x1xf32> to vector<64x200xf32>
    %div3A_1047 = arith.divf %select_n3A_1043, %div3A : vector<64x200xf32>
    %get3A_1048 = arith.constant 0 : index
    %get3A_1049 = arith.constant 0 : index
    %get3A_1050 = vector.load %arg4[%get3A_1048, %get3A_1049] : memref<200x2048xf32, #tpu.memory_space<vmem>>, vector<200x2048xf32>
    %dot_general3A_1051 = arith.constant dense<0.000000e+00> : vector<64x2048xf32>
    %dot_general3A_1052 = tpu.matmul %div3A_1047, %get3A_1050, %dot_general3A_1051 {dimension_numbers = #tpu.dot_dimension_numbers<[1], [0], [0], [1], [0, 0, 1, 1], [], []>, transpose_lhs_hint = false} : vector<64x200xf32>, vector<200x2048xf32>, vector<64x2048xf32> -> vector<64x2048xf32>
    %broadcast_in_dim3A_1053 = arith.constant 0.000000e+00 : f32
    %broadcast_in_dim3A_1054 = vector.broadcast %broadcast_in_dim3A_1053 : f32 to vector<64x256xf32>
    %eq3A_1055 = arith.constant 0 : i32
    %eq3A_1056 = vector.broadcast %eq3A_1055 : i32 to vector<64x1xi32>
    %eq3A_1057 = arith.cmpi eq, %select_n3A_117, %eq3A_1056 : vector<64x1xi32>
    %slice3A = vector.extract_strided_slice %dot_general3A_1052 {offsets = [0, 0], sizes = [64, 256], strides = [1, 1]} : vector<64x2048xf32> to vector<64x256xf32>
    %broadcast_in_dim3A_1058 = vector.shape_cast %eq3A_1057 : vector<64x1xi1> to vector<64x1xi1>
    %broadcast_in_dim3A_1059 = vector.broadcast %broadcast_in_dim3A_1058 : vector<64x1xi1> to vector<64x256xi1>
    %select_n3A_1060 = arith.select %broadcast_in_dim3A_1059, %slice3A, %broadcast_in_dim3A_1054 : vector<64x256xi1>, vector<64x256xf32>
    %eq3A_1061 = arith.constant 1 : i32
    %eq3A_1062 = vector.broadcast %eq3A_1061 : i32 to vector<64x1xi32>
    %eq3A_1063 = arith.cmpi eq, %select_n3A_117, %eq3A_1062 : vector<64x1xi32>
    %slice3A_1064 = vector.extract_strided_slice %dot_general3A_1052 {offsets = [0, 256], sizes = [64, 256], strides = [1, 1]} : vector<64x2048xf32> to vector<64x256xf32>
    %broadcast_in_dim3A_1065 = vector.shape_cast %eq3A_1063 : vector<64x1xi1> to vector<64x1xi1>
    %broadcast_in_dim3A_1066 = vector.broadcast %broadcast_in_dim3A_1065 : vector<64x1xi1> to vector<64x256xi1>
    %select_n3A_1067 = arith.select %broadcast_in_dim3A_1066, %slice3A_1064, %select_n3A_1060 : vector<64x256xi1>, vector<64x256xf32>
    %eq3A_1068 = arith.constant 2 : i32
    %eq3A_1069 = vector.broadcast %eq3A_1068 : i32 to vector<64x1xi32>
    %eq3A_1070 = arith.cmpi eq, %select_n3A_117, %eq3A_1069 : vector<64x1xi32>
    %slice3A_1071 = vector.extract_strided_slice %dot_general3A_1052 {offsets = [0, 512], sizes = [64, 256], strides = [1, 1]} : vector<64x2048xf32> to vector<64x256xf32>
    %broadcast_in_dim3A_1072 = vector.shape_cast %eq3A_1070 : vector<64x1xi1> to vector<64x1xi1>
    %broadcast_in_dim3A_1073 = vector.broadcast %broadcast_in_dim3A_1072 : vector<64x1xi1> to vector<64x256xi1>
    %select_n3A_1074 = arith.select %broadcast_in_dim3A_1073, %slice3A_1071, %select_n3A_1067 : vector<64x256xi1>, vector<64x256xf32>
    %eq3A_1075 = arith.constant 3 : i32
    %eq3A_1076 = vector.broadcast %eq3A_1075 : i32 to vector<64x1xi32>
    %eq3A_1077 = arith.cmpi eq, %select_n3A_117, %eq3A_1076 : vector<64x1xi32>
    %slice3A_1078 = vector.extract_strided_slice %dot_general3A_1052 {offsets = [0, 768], sizes = [64, 256], strides = [1, 1]} : vector<64x2048xf32> to vector<64x256xf32>
    %broadcast_in_dim3A_1079 = vector.shape_cast %eq3A_1077 : vector<64x1xi1> to vector<64x1xi1>
    %broadcast_in_dim3A_1080 = vector.broadcast %broadcast_in_dim3A_1079 : vector<64x1xi1> to vector<64x256xi1>
    %select_n3A_1081 = arith.select %broadcast_in_dim3A_1080, %slice3A_1078, %select_n3A_1074 : vector<64x256xi1>, vector<64x256xf32>
    %eq3A_1082 = arith.constant 4 : i32
    %eq3A_1083 = vector.broadcast %eq3A_1082 : i32 to vector<64x1xi32>
    %eq3A_1084 = arith.cmpi eq, %select_n3A_117, %eq3A_1083 : vector<64x1xi32>
    %slice3A_1085 = vector.extract_strided_slice %dot_general3A_1052 {offsets = [0, 1024], sizes = [64, 256], strides = [1, 1]} : vector<64x2048xf32> to vector<64x256xf32>
    %broadcast_in_dim3A_1086 = vector.shape_cast %eq3A_1084 : vector<64x1xi1> to vector<64x1xi1>
    %broadcast_in_dim3A_1087 = vector.broadcast %broadcast_in_dim3A_1086 : vector<64x1xi1> to vector<64x256xi1>
    %select_n3A_1088 = arith.select %broadcast_in_dim3A_1087, %slice3A_1085, %select_n3A_1081 : vector<64x256xi1>, vector<64x256xf32>
    %eq3A_1089 = arith.constant 5 : i32
    %eq3A_1090 = vector.broadcast %eq3A_1089 : i32 to vector<64x1xi32>
    %eq3A_1091 = arith.cmpi eq, %select_n3A_117, %eq3A_1090 : vector<64x1xi32>
    %slice3A_1092 = vector.extract_strided_slice %dot_general3A_1052 {offsets = [0, 1280], sizes = [64, 256], strides = [1, 1]} : vector<64x2048xf32> to vector<64x256xf32>
    %broadcast_in_dim3A_1093 = vector.shape_cast %eq3A_1091 : vector<64x1xi1> to vector<64x1xi1>
    %broadcast_in_dim3A_1094 = vector.broadcast %broadcast_in_dim3A_1093 : vector<64x1xi1> to vector<64x256xi1>
    %select_n3A_1095 = arith.select %broadcast_in_dim3A_1094, %slice3A_1092, %select_n3A_1088 : vector<64x256xi1>, vector<64x256xf32>
    %eq3A_1096 = arith.constant 6 : i32
    %eq3A_1097 = vector.broadcast %eq3A_1096 : i32 to vector<64x1xi32>
    %eq3A_1098 = arith.cmpi eq, %select_n3A_117, %eq3A_1097 : vector<64x1xi32>
    %slice3A_1099 = vector.extract_strided_slice %dot_general3A_1052 {offsets = [0, 1536], sizes = [64, 256], strides = [1, 1]} : vector<64x2048xf32> to vector<64x256xf32>
    %broadcast_in_dim3A_1100 = vector.shape_cast %eq3A_1098 : vector<64x1xi1> to vector<64x1xi1>
    %broadcast_in_dim3A_1101 = vector.broadcast %broadcast_in_dim3A_1100 : vector<64x1xi1> to vector<64x256xi1>
    %select_n3A_1102 = arith.select %broadcast_in_dim3A_1101, %slice3A_1099, %select_n3A_1095 : vector<64x256xi1>, vector<64x256xf32>
    %eq3A_1103 = arith.constant 7 : i32
    %eq3A_1104 = vector.broadcast %eq3A_1103 : i32 to vector<64x1xi32>
    %eq3A_1105 = arith.cmpi eq, %select_n3A_117, %eq3A_1104 : vector<64x1xi32>
    %slice3A_1106 = vector.extract_strided_slice %dot_general3A_1052 {offsets = [0, 1792], sizes = [64, 256], strides = [1, 1]} : vector<64x2048xf32> to vector<64x256xf32>
    %broadcast_in_dim3A_1107 = vector.shape_cast %eq3A_1105 : vector<64x1xi1> to vector<64x1xi1>
    %broadcast_in_dim3A_1108 = vector.broadcast %broadcast_in_dim3A_1107 : vector<64x1xi1> to vector<64x256xi1>
    %select_n3A_1109 = arith.select %broadcast_in_dim3A_1108, %slice3A_1106, %select_n3A_1102 : vector<64x256xi1>, vector<64x256xf32>
    %get3A_1110 = arith.constant 0 : index
    %get3A_1111 = arith.constant 0 : index
    %get3A_1112 = vector.load %arg14[%get3A_1110, %get3A_1111] : memref<8x256xf32, #tpu.memory_space<vmem>>, vector<8x256xf32>
    %slice3A_1113 = vector.extract_strided_slice %select_n3A_1109 {offsets = [0, 0], sizes = [8, 256], strides = [1, 1]} : vector<64x256xf32> to vector<8x256xf32>
    %get3A_1114 = arith.constant 0 : index
    %get3A_1115 = arith.constant 0 : index
    %get3A_1116 = vector.load %arg13[%get3A_1114, %get3A_1115] : memref<2048x256xf32, #tpu.memory_space<vmem>>, vector<256x256xf32>
    %dot_general3A_1117 = arith.constant dense<0.000000e+00> : vector<8x256xf32>
    %dot_general3A_1118 = tpu.matmul %slice3A_1113, %get3A_1116, %dot_general3A_1117 {dimension_numbers = #tpu.dot_dimension_numbers<[1], [0], [0], [1], [0, 0, 1, 1], [], []>, transpose_lhs_hint = false} : vector<8x256xf32>, vector<256x256xf32>, vector<8x256xf32> -> vector<8x256xf32>
    %add3A_1119 = arith.addf %get3A_1112, %dot_general3A_1118 : vector<8x256xf32>
    %slice3A_1120 = vector.extract_strided_slice %select_n3A_1109 {offsets = [8, 0], sizes = [8, 256], strides = [1, 1]} : vector<64x256xf32> to vector<8x256xf32>
    %get3A_1121 = arith.constant 256 : index
    %get3A_1122 = arith.constant 0 : index
    %get3A_1123 = vector.load %arg13[%get3A_1121, %get3A_1122] : memref<2048x256xf32, #tpu.memory_space<vmem>>, vector<256x256xf32>
    %dot_general3A_1124 = arith.constant dense<0.000000e+00> : vector<8x256xf32>
    %dot_general3A_1125 = tpu.matmul %slice3A_1120, %get3A_1123, %dot_general3A_1124 {dimension_numbers = #tpu.dot_dimension_numbers<[1], [0], [0], [1], [0, 0, 1, 1], [], []>, transpose_lhs_hint = false} : vector<8x256xf32>, vector<256x256xf32>, vector<8x256xf32> -> vector<8x256xf32>
    %add3A_1126 = arith.addf %add3A_1119, %dot_general3A_1125 : vector<8x256xf32>
    %slice3A_1127 = vector.extract_strided_slice %select_n3A_1109 {offsets = [16, 0], sizes = [8, 256], strides = [1, 1]} : vector<64x256xf32> to vector<8x256xf32>
    %get3A_1128 = arith.constant 512 : index
    %get3A_1129 = arith.constant 0 : index
    %get3A_1130 = vector.load %arg13[%get3A_1128, %get3A_1129] : memref<2048x256xf32, #tpu.memory_space<vmem>>, vector<256x256xf32>
    %dot_general3A_1131 = arith.constant dense<0.000000e+00> : vector<8x256xf32>
    %dot_general3A_1132 = tpu.matmul %slice3A_1127, %get3A_1130, %dot_general3A_1131 {dimension_numbers = #tpu.dot_dimension_numbers<[1], [0], [0], [1], [0, 0, 1, 1], [], []>, transpose_lhs_hint = false} : vector<8x256xf32>, vector<256x256xf32>, vector<8x256xf32> -> vector<8x256xf32>
    %add3A_1133 = arith.addf %add3A_1126, %dot_general3A_1132 : vector<8x256xf32>
    %slice3A_1134 = vector.extract_strided_slice %select_n3A_1109 {offsets = [24, 0], sizes = [8, 256], strides = [1, 1]} : vector<64x256xf32> to vector<8x256xf32>
    %get3A_1135 = arith.constant 768 : index
    %get3A_1136 = arith.constant 0 : index
    %get3A_1137 = vector.load %arg13[%get3A_1135, %get3A_1136] : memref<2048x256xf32, #tpu.memory_space<vmem>>, vector<256x256xf32>
    %dot_general3A_1138 = arith.constant dense<0.000000e+00> : vector<8x256xf32>
    %dot_general3A_1139 = tpu.matmul %slice3A_1134, %get3A_1137, %dot_general3A_1138 {dimension_numbers = #tpu.dot_dimension_numbers<[1], [0], [0], [1], [0, 0, 1, 1], [], []>, transpose_lhs_hint = false} : vector<8x256xf32>, vector<256x256xf32>, vector<8x256xf32> -> vector<8x256xf32>
    %add3A_1140 = arith.addf %add3A_1133, %dot_general3A_1139 : vector<8x256xf32>
    %slice3A_1141 = vector.extract_strided_slice %select_n3A_1109 {offsets = [32, 0], sizes = [8, 256], strides = [1, 1]} : vector<64x256xf32> to vector<8x256xf32>
    %get3A_1142 = arith.constant 1024 : index
    %get3A_1143 = arith.constant 0 : index
    %get3A_1144 = vector.load %arg13[%get3A_1142, %get3A_1143] : memref<2048x256xf32, #tpu.memory_space<vmem>>, vector<256x256xf32>
    %dot_general3A_1145 = arith.constant dense<0.000000e+00> : vector<8x256xf32>
    %dot_general3A_1146 = tpu.matmul %slice3A_1141, %get3A_1144, %dot_general3A_1145 {dimension_numbers = #tpu.dot_dimension_numbers<[1], [0], [0], [1], [0, 0, 1, 1], [], []>, transpose_lhs_hint = false} : vector<8x256xf32>, vector<256x256xf32>, vector<8x256xf32> -> vector<8x256xf32>
    %add3A_1147 = arith.addf %add3A_1140, %dot_general3A_1146 : vector<8x256xf32>
    %slice3A_1148 = vector.extract_strided_slice %select_n3A_1109 {offsets = [40, 0], sizes = [8, 256], strides = [1, 1]} : vector<64x256xf32> to vector<8x256xf32>
    %get3A_1149 = arith.constant 1280 : index
    %get3A_1150 = arith.constant 0 : index
    %get3A_1151 = vector.load %arg13[%get3A_1149, %get3A_1150] : memref<2048x256xf32, #tpu.memory_space<vmem>>, vector<256x256xf32>
    %dot_general3A_1152 = arith.constant dense<0.000000e+00> : vector<8x256xf32>
    %dot_general3A_1153 = tpu.matmul %slice3A_1148, %get3A_1151, %dot_general3A_1152 {dimension_numbers = #tpu.dot_dimension_numbers<[1], [0], [0], [1], [0, 0, 1, 1], [], []>, transpose_lhs_hint = false} : vector<8x256xf32>, vector<256x256xf32>, vector<8x256xf32> -> vector<8x256xf32>
    %add3A_1154 = arith.addf %add3A_1147, %dot_general3A_1153 : vector<8x256xf32>
    %slice3A_1155 = vector.extract_strided_slice %select_n3A_1109 {offsets = [48, 0], sizes = [8, 256], strides = [1, 1]} : vector<64x256xf32> to vector<8x256xf32>
    %get3A_1156 = arith.constant 1536 : index
    %get3A_1157 = arith.constant 0 : index
    %get3A_1158 = vector.load %arg13[%get3A_1156, %get3A_1157] : memref<2048x256xf32, #tpu.memory_space<vmem>>, vector<256x256xf32>
    %dot_general3A_1159 = arith.constant dense<0.000000e+00> : vector<8x256xf32>
    %dot_general3A_1160 = tpu.matmul %slice3A_1155, %get3A_1158, %dot_general3A_1159 {dimension_numbers = #tpu.dot_dimension_numbers<[1], [0], [0], [1], [0, 0, 1, 1], [], []>, transpose_lhs_hint = false} : vector<8x256xf32>, vector<256x256xf32>, vector<8x256xf32> -> vector<8x256xf32>
    %add3A_1161 = arith.addf %add3A_1154, %dot_general3A_1160 : vector<8x256xf32>
    %slice3A_1162 = vector.extract_strided_slice %select_n3A_1109 {offsets = [56, 0], sizes = [8, 256], strides = [1, 1]} : vector<64x256xf32> to vector<8x256xf32>
    %get3A_1163 = arith.constant 1792 : index
    %get3A_1164 = arith.constant 0 : index
    %get3A_1165 = vector.load %arg13[%get3A_1163, %get3A_1164] : memref<2048x256xf32, #tpu.memory_space<vmem>>, vector<256x256xf32>
    %dot_general3A_1166 = arith.constant dense<0.000000e+00> : vector<8x256xf32>
    %dot_general3A_1167 = tpu.matmul %slice3A_1162, %get3A_1165, %dot_general3A_1166 {dimension_numbers = #tpu.dot_dimension_numbers<[1], [0], [0], [1], [0, 0, 1, 1], [], []>, transpose_lhs_hint = false} : vector<8x256xf32>, vector<256x256xf32>, vector<8x256xf32> -> vector<8x256xf32>
    %add3A_1168 = arith.addf %add3A_1161, %dot_general3A_1167 : vector<8x256xf32>
    %get3A_1169 = arith.constant 0 : index
    %get3A_1170 = arith.constant 0 : index
    %get3A_1171 = vector.load %arg15[%get3A_1169, %get3A_1170] : memref<256x256xf32, #tpu.memory_space<vmem>>, vector<256x256xf32>
    %dot_general3A_1172 = arith.constant dense<0.000000e+00> : vector<8x256xf32>
    %dot_general3A_1173 = tpu.matmul %add3A_1168, %get3A_1171, %dot_general3A_1172 {dimension_numbers = #tpu.dot_dimension_numbers<[1], [0], [0], [1], [0, 0, 1, 1], [], []>, transpose_lhs_hint = false} : vector<8x256xf32>, vector<256x256xf32>, vector<8x256xf32> -> vector<8x256xf32>
    %get3A_1174 = arith.constant 0 : index
    %get3A_1175 = arith.constant 0 : index
    %get3A_1176 = vector.load %arg16[%get3A_1174, %get3A_1175] : memref<8x256xf32, #tpu.memory_space<vmem>>, vector<8x256xf32>
    %add3A_1177 = arith.addf %dot_general3A_1173, %get3A_1176 : vector<8x256xf32>
    %get3A_1178 = arith.constant 0 : index
    %get3A_1179 = arith.constant 0 : index
    %get3A_1180 = vector.load %arg17[%get3A_1178, %get3A_1179] : memref<256x256xf32, #tpu.memory_space<vmem>>, vector<256x256xf32>
    %dot_general3A_1181 = arith.constant dense<0.000000e+00> : vector<8x256xf32>
    %dot_general3A_1182 = tpu.matmul %add3A_1177, %get3A_1180, %dot_general3A_1181 {dimension_numbers = #tpu.dot_dimension_numbers<[1], [0], [0], [1], [0, 0, 1, 1], [], []>, transpose_lhs_hint = false} : vector<8x256xf32>, vector<256x256xf32>, vector<8x256xf32> -> vector<8x256xf32>
    %get3A_1183 = arith.constant 0 : index
    %get3A_1184 = arith.constant 0 : index
    %get3A_1185 = vector.load %arg18[%get3A_1183, %get3A_1184] : memref<8x256xf32, #tpu.memory_space<vmem>>, vector<8x256xf32>
    %add3A_1186 = arith.addf %dot_general3A_1182, %get3A_1185 : vector<8x256xf32>
    %get3A_1187 = arith.constant 0 : index
    %get3A_1188 = arith.constant 0 : index
    %get3A_1189 = vector.load %arg19[%get3A_1187, %get3A_1188] : memref<256x256xf32, #tpu.memory_space<vmem>>, vector<256x256xf32>
    %dot_general3A_1190 = arith.constant dense<0.000000e+00> : vector<8x256xf32>
    %dot_general3A_1191 = tpu.matmul %add3A_1168, %get3A_1189, %dot_general3A_1190 {dimension_numbers = #tpu.dot_dimension_numbers<[1], [0], [0], [1], [0, 0, 1, 1], [], []>, transpose_lhs_hint = false} : vector<8x256xf32>, vector<256x256xf32>, vector<8x256xf32> -> vector<8x256xf32>
    %get3A_1192 = arith.constant 0 : index
    %get3A_1193 = arith.constant 0 : index
    %get3A_1194 = vector.load %arg20[%get3A_1192, %get3A_1193] : memref<8x256xf32, #tpu.memory_space<vmem>>, vector<8x256xf32>
    %add3A_1195 = arith.addf %dot_general3A_1191, %get3A_1194 : vector<8x256xf32>
    %get3A_1196 = arith.constant 0 : index
    %get3A_1197 = arith.constant 0 : index
    %get3A_1198 = vector.load %arg21[%get3A_1196, %get3A_1197] : memref<256x256xf32, #tpu.memory_space<vmem>>, vector<256x256xf32>
    %dot_general3A_1199 = arith.constant dense<0.000000e+00> : vector<8x256xf32>
    %dot_general3A_1200 = tpu.matmul %add3A_1195, %get3A_1198, %dot_general3A_1199 {dimension_numbers = #tpu.dot_dimension_numbers<[1], [0], [0], [1], [0, 0, 1, 1], [], []>, transpose_lhs_hint = false} : vector<8x256xf32>, vector<256x256xf32>, vector<8x256xf32> -> vector<8x256xf32>
    %get3A_1201 = arith.constant 0 : index
    %get3A_1202 = arith.constant 0 : index
    %get3A_1203 = vector.load %arg22[%get3A_1201, %get3A_1202] : memref<8x256xf32, #tpu.memory_space<vmem>>, vector<8x256xf32>
    %add3A_1204 = arith.addf %dot_general3A_1200, %get3A_1203 : vector<8x256xf32>
    %swap3A = arith.constant 0 : index
    %swap3A_1205 = arith.constant 0 : index
    %swap3A_1206 = vector.load %arg23[%swap3A, %swap3A_1205] : memref<8x256xf32, #tpu.memory_space<vmem>>, vector<8x256xf32>
    tpu.vector_store %arg23[%swap3A, %swap3A_1205], %add3A_1186 {strides = array<i32>} : memref<8x256xf32, #tpu.memory_space<vmem>>, vector<8x256xf32>,
    %swap3A_1207 = arith.constant 0 : index
    %swap3A_1208 = arith.constant 0 : index
    %swap3A_1209 = vector.load %arg24[%swap3A_1207, %swap3A_1208] : memref<8x256xf32, #tpu.memory_space<vmem>>, vector<8x256xf32>
    tpu.vector_store %arg24[%swap3A_1207, %swap3A_1208], %add3A_1204 {strides = array<i32>} : memref<8x256xf32, #tpu.memory_space<vmem>>, vector<8x256xf32>,
    return
  }
  func.func @transform_0(%arg0: i32) -> (i32, i32) {
    %c0_i32 = arith.constant 0 : i32
    %c0_i32_0 = arith.constant 0 : i32
    return %arg0, %c0_i32 : i32, i32
  }
  func.func @transform_1(%arg0: i32) -> (i32, i32) {
    %c0_i32 = arith.constant 0 : i32
    %c0_i32_0 = arith.constant 0 : i32
    return %arg0, %c0_i32 : i32, i32
  }
  func.func @transform_2(%arg0: i32) -> (i32, i32) {
    %c0_i32 = arith.constant 0 : i32
    %c0_i32_0 = arith.constant 0 : i32
    return %c0_i32, %arg0 : i32, i32
  }
  func.func @transform_3(%arg0: i32) -> (i32, i32) {
    %c0_i32 = arith.constant 0 : i32
    %c0_i32_0 = arith.constant 0 : i32
    return %c0_i32, %arg0 : i32, i32
  }
  func.func @transform_4(%arg0: i32) -> (i32, i32) {
    %c0_i32 = arith.constant 0 : i32
    %c0_i32_0 = arith.constant 0 : i32
    %c0_i32_1 = arith.constant 0 : i32
    return %c0_i32, %c0_i32_0 : i32, i32
  }
  func.func @transform_5(%arg0: i32) -> (i32, i32) {
    %c0_i32 = arith.constant 0 : i32
    %c0_i32_0 = arith.constant 0 : i32
    %c0_i32_1 = arith.constant 0 : i32
    return %c0_i32, %c0_i32_0 : i32, i32
  }
  func.func @transform_6(%arg0: i32) -> (i32, i32) {
    %c0_i32 = arith.constant 0 : i32
    %c0_i32_0 = arith.constant 0 : i32
    %c0_i32_1 = arith.constant 0 : i32
    return %c0_i32, %c0_i32_0 : i32, i32
  }
  func.func @transform_7(%arg0: i32) -> (i32, i32) {
    %c0_i32 = arith.constant 0 : i32
    %c0_i32_0 = arith.constant 0 : i32
    %c0_i32_1 = arith.constant 0 : i32
    return %c0_i32, %c0_i32_0 : i32, i32
  }
  func.func @transform_8(%arg0: i32) -> (i32, i32) {
    %c0_i32 = arith.constant 0 : i32
    %c0_i32_0 = arith.constant 0 : i32
    %c0_i32_1 = arith.constant 0 : i32
    return %c0_i32, %c0_i32_0 : i32, i32
  }
  func.func @transform_9(%arg0: i32) -> (i32, i32) {
    %c0_i32 = arith.constant 0 : i32
    %c0_i32_0 = arith.constant 0 : i32
    %c0_i32_1 = arith.constant 0 : i32
    return %c0_i32, %c0_i32_0 : i32, i32
  }
  func.func @transform_10(%arg0: i32) -> (i32, i32) {
    %c0_i32 = arith.constant 0 : i32
    %c0_i32_0 = arith.constant 0 : i32
    %c0_i32_1 = arith.constant 0 : i32
    return %c0_i32, %c0_i32_0 : i32, i32
  }
  func.func @transform_11(%arg0: i32) -> (i32, i32) {
    %c0_i32 = arith.constant 0 : i32
    %c0_i32_0 = arith.constant 0 : i32
    %c0_i32_1 = arith.constant 0 : i32
    return %c0_i32, %c0_i32_0 : i32, i32
  }
  func.func @transform_12(%arg0: i32) -> (i32, i32) {
    %c0_i32 = arith.constant 0 : i32
    %c0_i32_0 = arith.constant 0 : i32
    %c0_i32_1 = arith.constant 0 : i32
    return %c0_i32, %c0_i32_0 : i32, i32
  }
  func.func @transform_13(%arg0: i32) -> (i32, i32) {
    %c0_i32 = arith.constant 0 : i32
    %c0_i32_0 = arith.constant 0 : i32
    %c0_i32_1 = arith.constant 0 : i32
    return %c0_i32, %c0_i32_0 : i32, i32
  }
  func.func @transform_14(%arg0: i32) -> (i32, i32) {
    %c0_i32 = arith.constant 0 : i32
    %c0_i32_0 = arith.constant 0 : i32
    %c0_i32_1 = arith.constant 0 : i32
    return %c0_i32, %c0_i32_0 : i32, i32
  }
  func.func @transform_15(%arg0: i32) -> (i32, i32) {
    %c0_i32 = arith.constant 0 : i32
    %c0_i32_0 = arith.constant 0 : i32
    %c0_i32_1 = arith.constant 0 : i32
    return %c0_i32, %c0_i32_0 : i32, i32
  }
  func.func @transform_16(%arg0: i32) -> (i32, i32) {
    %c0_i32 = arith.constant 0 : i32
    %c0_i32_0 = arith.constant 0 : i32
    %c0_i32_1 = arith.constant 0 : i32
    return %c0_i32, %c0_i32_0 : i32, i32
  }
  func.func @transform_17(%arg0: i32) -> (i32, i32) {
    %c0_i32 = arith.constant 0 : i32
    %c0_i32_0 = arith.constant 0 : i32
    %c0_i32_1 = arith.constant 0 : i32
    return %c0_i32, %c0_i32_0 : i32, i32
  }
  func.func @transform_18(%arg0: i32) -> (i32, i32) {
    %c0_i32 = arith.constant 0 : i32
    %c0_i32_0 = arith.constant 0 : i32
    %c0_i32_1 = arith.constant 0 : i32
    return %c0_i32, %c0_i32_0 : i32, i32
  }
  func.func @transform_19(%arg0: i32) -> (i32, i32) {
    %c0_i32 = arith.constant 0 : i32
    %c0_i32_0 = arith.constant 0 : i32
    %c0_i32_1 = arith.constant 0 : i32
    return %c0_i32, %c0_i32_0 : i32, i32
  }
  func.func @transform_20(%arg0: i32) -> (i32, i32) {
    %c0_i32 = arith.constant 0 : i32
    %c0_i32_0 = arith.constant 0 : i32
    %c0_i32_1 = arith.constant 0 : i32
    return %c0_i32, %c0_i32_0 : i32, i32
  }
  func.func @transform_21(%arg0: i32) -> (i32, i32) {
    %c0_i32 = arith.constant 0 : i32
    %c0_i32_0 = arith.constant 0 : i32
    %c0_i32_1 = arith.constant 0 : i32
    return %c0_i32, %c0_i32_0 : i32, i32
  }
  func.func @transform_22(%arg0: i32) -> (i32, i32) {
    %c0_i32 = arith.constant 0 : i32
    %c0_i32_0 = arith.constant 0 : i32
    return %arg0, %c0_i32 : i32, i32
  }
  func.func @transform_23(%arg0: i32) -> (i32, i32) {
    %c0_i32 = arith.constant 0 : i32
    %c0_i32_0 = arith.constant 0 : i32
    return %arg0, %c0_i32 : i32, i32
  }
}

</mosaic_0001>

<sc_bundles>
// kernel: sparse-core-data-format-call.1.cloned.1.call-start
scs
called_computation.1_lowered:
.L_overlay_start_0:
0x0: {  	s2 =	sld [smem:$0x3FD9]  }
0x1: {  	s3 =	sld [smem:$0x3FFE];
	_ =	sdelay $0x1  }
0x2: {  	s1 =	srdreg.scid  }
0x3: {  	s0 =	sand.u32 $0x1, s1  }
0x4: {  	s18 =	sshll.u32 s0, $0xA;
	s2 =	sadd.s32 s3, s2  }
0x5: {  	s2 =	sadd.s32 s2, s18  }
0x6: {  	[smem:$0x3FB2] =	sst s2  }
0x7: {  	_ = 	snop  }
0x8: {  	s2 =	sld [smem:$0x3FC7];
	(tm) =	ssettm $0x1  }
0x9: {  	s19 =	sld [smem:$0x3FFB];
	_ =	sdelay $0x3  }
0xa: {  	_ =	strace s19  }
0xb: {  	s3 =	sld [smem:$0x3FFC];
	_ =	sdelay $0x3  }
0xc: {  	_ =	strace s3  }
0xd: {  	s3 =	sld [smem:$0x3FFD];
	_ =	sdelay $0x3  }
0xe: {  	_ =	strace s3  }
0xf: {  	_ =	strace $0x8FFFFFFF  }
0x10: {  	s20 =	sld [smem:$0x3FDB];
	_ =	sdelay $0x1  }
0x11: {  	s4 =	simm.s32 $_scs_section_size  }
0x12: {  	s5 =	simm.s32 $_size__tile_overlayer_lowered;
	s6 =	simm.s32 $_tile_overlayer_lowered  }
0x13: {  	s23 =	simm.s32 $0x1BFF;
	s22 =	sshll.u32 s6, $0x1;
	s3 =	sadd.s32 s4, s20  }
0x14: {  	s7 =	simm.s32 $0x0;
	s21 =	sshll.u32 s5, $0x1;
	s5 =	sadd.s32 s22, s3  }
0x15: {  	[timem:s7], [sflag:s23] =	dma.local [hbm:s5], s21  }
0x16: {  	_ =	swait.ge [sflag:s23], s21  }
0x17: {  	s4 =	ssub.s32 $0x0, s21;
	[sflag:s23] =	ssyncset.done $0x0  }
0x18: {  	[sflag:s23] =	ssyncadd.s32 s4;
	_ =	sdelay $0x1  }
0x19: {  	s24 =	simm.s32 $0x1B8B  }
0x1a: {  	_ =	swait.ge [sflag:s24], $0x1  }
0x1b: {  	[sflag:s24] =	ssyncset.done $0x0  }
0x1c: {  	s26 =	simm.s32 $0x1B8E;
	s25 =	sld [smem:$0x3FFE];
	[sflag:s24] =	ssyncadd.s32 $0xFFFFFFFF  }
0x1d: {  	s27 =	simm.s32 $execute0_lowered;
	[smem:$0x3FD2] =	sst s26  }
0x1e: {  	s5 =	sshll.u32 s27, $0x1;
	_ =	strace $0x80000046;
	[dreg:$0x1] =	wrdreg $0xFFFFFFFF  }
0x1f: {  	s28 =	simm.s32 $_size_execute0_lowered;
	s3 =	sadd.s32 s3, s5;
	[dreg:$0x0] =	wrdreg $0x0  }
0x20: {  	s5 =	sshll.u32 s28, $0x1;
	[dreg:$0x2] =	wrdreg s3  }
0x21: {  	[dreg:$0x3] =	wrdreg s5  }
0x22: {  	[dreg:$0x4] =	wrdreg $0xC0  }
0x23: {  	_ =	task [dreg:s7], $0x5FFFF  }
0x24: {  	[dreg:$0x1] =	wrdreg $0xFFFFFFFF  }
0x25: {  	[dreg:$0x0] =	wrdreg $0x60  }
0x26: {  	[dreg:$0x2] =	wrdreg s2  }
0x27: {  	[dreg:$0x3] =	wrdreg s25  }
0x28: {  	[dreg:$0x4] =	wrdreg $0xA  }
0x29: {  	_ =	task.clear_ibuf [dreg:s7], $0x5FFFF;
	_ =	strace $0x90000046  }
0x2a: {  	s29 =	simm.s32 $0xA;
	_ =	strace $0x80000048  }
0x2b: {  	_ =	swait.ge [sflag:s29], $0x1  }
0x2c: {  	[sflag:s29] =	ssyncadd.s32 $0xFFFFFFFF  }
0x2d: {  	_ =	strace $0x90000048  }
0x2e: {  	_ =	sfence  }
0x2f: {  	s30 =	sld [smem:$0x0];
	_ =	sdelay $0x2  }
0x30: {  	s31 =	sshll.u32 s1, $0xD;
	s1 =	sshrl.u32 s1, $0x2  }
0x31: {  	s3 =	sand.u32 $0x4000, s31;
	s1 =	sadd.s32 s1, s30  }
0x32: {  	s0 =	sor.u32 s3, s0;
	s1 =	sshll.u32 s1, $0x11  }
0x33: {  	s0 =	sor.u32 s1, s0  }
0x34: {  	s0 =	sadd.s32 $0x8F2B, s0  }
0x35: {  	[sflag:s0] =	ssyncadd.remote.s32 $0x1  }
0x36: {  	_ =	sfence.sel $0xFFFF  }
0x37: {  	[dreg:$0x0] =	wrdreg $0xFFFFFFFF;
	(pc) =	sbr.abs _section_cstart, $3  }
0x38: {  	[dreg:$0x1] =	wrdreg $0xFFFFFFFF  }
0x39: {  	_ =	task.clear_ibuf [dreg:s7], $0x2FFFF;
	_ =	strace $0x9FFFFFFF  }
0x3a: {  	(tm) =	ssettm $0x7FFFFFFF  }
0x3b: {  	_ =	shalt  }
tec
execute0_lowered:
.L_overlay_start_1:
0x0: {  	(tag) =	ssettag $0x1  }
0x1: {  	s0 =	stileid.u32;
	s3 =	rddreg [dreg:$0x0]  }
0x2: {  	s1 =	srdreg.scid;
	s6 =	rddreg [dreg:$0x1]  }
0x3: {  	s8 =	simm.s32 $0x2;
	s2 =	sshll.u32 s0, $0x4;
	s1 =	sshll.u32 s1, $0x8  }
0x4: {  	s16 =	simm.s32 $0x0;
	s9 =	simm.s32 $0x800;
	s1 =	sor.u32 s2, s1  }
0x5: {  	s10 =	simm.s32 $0x0;
	s17 =	simm.s32 $0x0;
	s2 =	sand.u32 $0x180, s1  }
0x6: {  	s19 =	simm.s32 $0x0;
	s18 =	simm.s32 $0x0;
	s1 =	ssub.s32 $0x400, s2  }
0x7: {  	s11 =	simm.s32 $0x0;
	s14 =	simm.s32 $0x0;
	s4 =	sand.u32 $0x180, s1  }
0x8: {  	s15 =	simm.s32 $0x0;
	p0 =	sne.s32 s4, $0x0;
	s4 =	simm.s32 $0x1  }
.Ltmp0:
0x9: {  	s5 =	sshrl.u32 s1, $0x9;
	s4 =	simm.s32 @!p0 $0x0;
	(pc) =	sbr.rel .LBB1_1-.Ltmp0, $4  }
0xa: {  	s7 =	sand.u32 $0x7, s0;
	s1 =	rddreg [dreg:$0x2];
	s5 =	sadd.s32 s4, s5  }
0xb: {  	_ =	strace $0x80000047;
	s4 =	simm.s32 $0x1;
	s5 =	smul.u32 $0x32, s5  }
0xc: {  	s6 =	sadd.s32 $0x3000, s6;
	s13 =	smov.u32 s7;
	[sflag:s4] =	ssyncpa.u1 $0x0  }
0xd: {  	s12 =	smov.u32 s2;
	[sflag:s8] =	ssyncpa.u1 $0x0;
	s8 =	sor.u32 $0x1, s5  }
.LBB1_4:
0xe: {  	_ =	sdelay $0x3  }
0xf: {  	[tilespmem:v0+s22+$0xFFFFFFA0 ss:$0x1] =	vst.idx.msk $0xffff, v6  }
0x10: {  	v56 =	vld.idx.msk [tilespmem:v1+s21+$0x30 ss:$0x1], $0xffff;
	[tilespmem:v0+s22+$0xFFFFFFB0 ss:$0x1] =	vst.idx.msk $0xffff, v4  }
0x11: {  	v57 =	vld.idx.msk [tilespmem:v1+s21+$0xFFFFFFC0 ss:$0x1], $0xffff;
	[tilespmem:v0+s22+$0xFFFFFFC0 ss:$0x1] =	vst.idx.msk $0xffff, v2  }
0x12: {  	v58 =	vld.idx.msk [tilespmem:v1+s21+$0xFFFFFFD0 ss:$0x1], $0xffff;
	[tilespmem:v0+s22+$0xFFFFFFD0 ss:$0x1] =	vst.idx.msk $0xffff, v3  }
0x13: {  	v59 =	vld.idx.msk [tilespmem:v1+s21+$0xFFFFFFE0 ss:$0x1], $0xffff;
	[tilespmem:v0+s22+$0xFFFFFFE0 ss:$0x1] =	vst.idx.msk $0xffff, v5  }
0x14: {  	v60 =	vld.idx.msk [tilespmem:v1+s21+$0xFFFFFFF0 ss:$0x1], $0xffff;
	[tilespmem:v0+s22+$0xFFFFFFF0 ss:$0x1] =	vst.idx.msk $0xffff, v7  }
0x15: {  	v61 =	vld.idx.msk [tilespmem:v1+s21+$0x0 ss:$0x1], $0xffff;
	[tilespmem:v0+s21+$0x0 ss:$0x1] =	vst.idx.msk $0xffff, v56  }
0x16: {  	v62 =	vld.idx.msk [tilespmem:v1+s21+$0x10 ss:$0x1], $0xffff;
	[tilespmem:v0+s21+$0xFFFFFF90 ss:$0x1] =	vst.idx.msk $0xffff, v57  }
0x17: {  	s19 =	sshll.u32 s19, $0x7;
	v63 =	vld.idx.msk [tilespmem:v1+s21+$0x20 ss:$0x1], $0xffff;
	s29 =	sand.u32 $0x78, s16;
	[tilespmem:v0+s21+$0xFFFFFFA0 ss:$0x1] =	vst.idx.msk $0xffff, v58  }
0x18: {  	s30 =	sshll.u32 s16, $0x3;
	s18 =	sshll.u32 s18, $0x12;
	s19 =	sand.u32 $0x380, s19;
	[tilespmem:v0+s21+$0xFFFFFFB0 ss:$0x1] =	vst.idx.msk $0xffff, v59  }
0x19: {  	s17 =	sshll.u32 s17, $0x8;
	s22 =	sand.u32 $0x400, s30;
	s19 =	sor.u32 s29, s19;
	[tilespmem:v0+s21+$0xFFFFFFC0 ss:$0x1] =	vst.idx.msk $0xffff, v60  }
0x1a: {  	s31 =	sand.u32 $0x7, s16;
	s18 =	sadd.s32 s6, s18;
	s19 =	sor.u32 s22, s19;
	[tilespmem:v0+s21+$0xFFFFFFD0 ss:$0x1] =	vst.idx.msk $0xffff, v61  }
0x1b: {  	s16 =	sshll.u32 s31, $0x12;
	s17 =	sadd.s32 s17, s18;
	s19 =	sshrl.u32 s19, $0x3;
	[tilespmem:v0+s21+$0xFFFFFFE0 ss:$0x1] =	vst.idx.msk $0xffff, v62  }
0x1c: {  	s16 =	sor.u32 $0x80, s16;
	[tilespmem:v0+s21+$0xFFFFFFF0 ss:$0x1] =	vst.idx.msk $0xffff, v63;
	s17 =	sadd.s32 s19, s17  }
0x1d: {  	[hbm4b:s17+s16] =	stream.strided.scatter [tilespmem:s20], [sflag:$0x2], $0x4000, s9, s16, $0x38;
	[tilespmem:$0x10000] =	vst v63  }
.LBB1_5:
0x1e: {  	s20 =	sadd.s32 $0x80, s11  }
0x1f: {  	s16 =	sadd.s32 $0x200, s12;
	s21 =	smov.u32 s12;
	p1 =	sgt.s32 s20, $0xFF  }
0x20: {  	s21 =	smov.u32 @p1 s16  }
0x21: {  	s22 =	smov.u32 s13;
	s16 =	sadd.s32 $0x8, s13;
	p2 =	sgt.s32 s21, $0x3FF  }
0x22: {  	s22 =	smov.u32 @p2 s16  }
0x23: {  	s16 =	simm.s32 $0x1;
	p3 =	sgt.s32 s22, $0x7  }
0x24: {  	s16 =	simm.s32 @!p3 $0x0  }
0x25: {  	p0 =	slt.u32 s15, $0x2;
	s24 =	sadd.s32 s16, s14  }
0x26: {  	s17 =	smov.u32 s12;
	s20 =	simm.s32 @p1 $0x0;
	p1 =	sgt.s32 s24, $0x18  }
0x27: {  	s23 =	simm.s32 @!p0 $0x2;
	s24 =	simm.s32 @p1 $0x0;
	p1 =	sne.s32 s15, s8  }
.Ltmp1:
0x28: {  	s19 =	smov.u32 s13;
	_ =	swait.ge @!p0 [sflag:s23], $0x4000;
	(pc) =	sbr.rel @!p1 .LBB1_6-.Ltmp1, $4  }
0x29: {  	s18 =	smov.u32 s14;
	[sflag:s23] =	ssyncset.done @!p0 $0x0;
	s21 =	smov.u32 @p2 s2  }
0x2a: {  	s10 =	sadd.s32 $0x4000, s10;
	[sflag:s23] =	ssyncadd.s32 @!p0 $0xFFFFC000;
	s12 =	smov.u32 s21  }
0x2b: {  	s22 =	smov.u32 @p3 s7;
	s16 =	smov.u32 s11;
	s11 =	smov.u32 s20  }
0x2c: {  	s13 =	smov.u32 s22;
	s15 =	sadd.s32 $0x1, s15;
	s14 =	smov.u32 s24  }
.LBB1_1:
0x2d: {  	p0 =	sge.u32 s15, s5;
	s31 =	sadd.s32 $0xFFFFFFFF, s15  }
0x2e: {  	s20 =	sxor.u32 @!p0 $0xFFFFFFFF, s15;
	s21 =	sand.u32 @!p0 $0x78, s11;
	s22 =	sshll.u32 @!p0 s12, $0x8  }
0x2f: {  	s23 =	sshll.u32 @!p0 s11, $0x3;
	s24 =	sshll.u32 @!p0 s12, $0x7;
	s20 =	sshll.u32 @!p0 s20, $0xE  }
0x30: {  	s22 =	sand.u32 @!p0 $0x3F800, s22;
	s23 =	sand.u32 @!p0 $0x3FC00, s23;
	s20 =	sand.u32 @!p0 $0x4000, s20  }
0x31: {  	s22 =	sadd.s32 @!p0 s22, s23;
	s23 =	sand.u32 @!p0 $0x300, s24;
	s24 =	sand.u32 @!p0 $0x80, s24  }
0x32: {  	s22 =	sor.u32 @!p0 s23, s22;
	s21 =	sor.u32 @!p0 s21, s24;
	s23 =	sshll.u32 @!p0 s14, $0x12  }
0x33: {  	s24 =	sshll.u32 @!p0 s13, $0xF;
	s22 =	sshrl.u32 @!p0 s22, $0x3;
	s23 =	sadd.s32 @!p0 s3, s23  }
0x34: {  	s21 =	sshrl.u32 @!p0 s21, $0x3;
	s23 =	sadd.s32 @!p0 s24, s23;
	s24 =	sand.u32 @!p0 $0x7, s11  }
0x35: {  	s22 =	sand.u32 @!p0 $0x7FE0, s22;
	s21 =	sadd.s32 @!p0 s21, s23;
	s23 =	sshll.u32 @!p0 s24, $0x12  }
0x36: {  	s21 =	sadd.s32 @!p0 s22, s21;
	s22 =	sor.u32 @!p0 $0x400, s23;
	s23 =	simm.s32 @!p0 $0x800  }
0x37: {  	[tilespmem:s20], [sflag:$0x1] =	stream.strided.gather @!p0 [hbm4b:s21+s22], $0x4000, s23, s22, $0x38;
	[tilespmem:$0x10000] =	vst v63  }
0x38: {  	p0 =	sge.u32 s31, s5  }
.Ltmp2:
0x39: {  	_ = 	snop;
	(pc) =	sbr.rel @p0 .LBB1_5-.Ltmp2, $1  }
0x3a: {  	_ =	sdelay $0x3  }
0x3b: {  	s20 =	sand.u32 $0x4000, s10  }
0x3c: {  	s21 =	sor.u32 $0x40, s20  }
0x3d: {  	v1 =	vmov s21;
	_ =	sdelay $0x1  }
0x3e: {  	_ =	swait.ge [sflag:s4], $0x4000  }
0x3f: {  	[sflag:s4] =	ssyncset.done $0x0  }
0x40: {  	s22 =	simm.s32 $0x0;
	[sflag:s4] =	ssyncadd.s32 $0xFFFFC000  }
0x41: {  	s20 =	sor.u32 $0x8070, s20;
	v7 =	vld.idx.msk [tilespmem:v1+s22+$0x30 ss:$0x1], $0xffff  }
0x42: {  	v0 =	vmov s20;
	v8 =	vld.idx.msk [tilespmem:v1+s22+$0xFFFFFFC0 ss:$0x1], $0xffff  }
0x43: {  	v6 =	vld.idx.msk [tilespmem:v1+s22+$0xFFFFFFD0 ss:$0x1], $0xffff  }
0x44: {  	v4 =	vld.idx.msk [tilespmem:v1+s22+$0xFFFFFFE0 ss:$0x1], $0xffff  }
0x45: {  	v2 =	vld.idx.msk [tilespmem:v1+s22+$0xFFFFFFF0 ss:$0x1], $0xffff  }
0x46: {  	s31 =	sshll.u32 s15, $0xE;
	v3 =	vld.idx.msk [tilespmem:v1+s22+$0x0 ss:$0x1], $0xffff  }
0x47: {  	s20 =	sand.u32 $0x4000, s31;
	v5 =	vld.idx.msk [tilespmem:v1+s22+$0x10 ss:$0x1], $0xffff;
	[tilespmem:v0+s22+$0x0 ss:$0x1] =	vst.idx.msk $0xffff, v7  }
0x48: {  	s23 =	simm.s32 $0x400;
	s21 =	simm.s32 $0x80;
	s20 =	sor.u32 $0x8000, s20;
	[tilespmem:v0+s22+$0xFFFFFF90 ss:$0x1] =	vst.idx.msk $0xffff, v8;
	v7 =	vld.idx.msk [tilespmem:v1+s22+$0x20 ss:$0x1], $0xffff  }
.LBB1_3:
0x49: {  	p0 =	sne.s32 s23, $0xFE00;
	v8 =	vld.idx.msk [tilespmem:v1+s21+$0x30 ss:$0x1], $0xffff;
	[tilespmem:v0+s22+$0xFFFFFFA0 ss:$0x1] =	vst.idx.msk $0xffff, v6  }
0x4a: {  	v9 =	vld.idx.msk [tilespmem:v1+s21+$0xFFFFFFC0 ss:$0x1], $0xffff;
	[tilespmem:v0+s22+$0xFFFFFFB0 ss:$0x1] =	vst.idx.msk $0xffff, v4  }
0x4b: {  	v6 =	vld.idx.msk [tilespmem:v1+s21+$0xFFFFFFD0 ss:$0x1], $0xffff;
	[tilespmem:v0+s22+$0xFFFFFFC0 ss:$0x1] =	vst.idx.msk $0xffff, v2  }
.Ltmp3:
0x4c: {  	v4 =	vld.idx.msk [tilespmem:v1+s21+$0xFFFFFFE0 ss:$0x1], $0xffff;
	[tilespmem:v0+s22+$0xFFFFFFD0 ss:$0x1] =	vst.idx.msk $0xffff, v3;
	(pc) =	sbr.rel @p0 .LBB1_3-.Ltmp3, $4  }
0x4d: {  	v2 =	vld.idx.msk [tilespmem:v1+s21+$0xFFFFFFF0 ss:$0x1], $0xffff;
	[tilespmem:v0+s22+$0xFFFFFFE0 ss:$0x1] =	vst.idx.msk $0xffff, v5  }
0x4e: {  	v3 =	vld.idx.msk [tilespmem:v1+s21+$0x0 ss:$0x1], $0xffff;
	[tilespmem:v0+s22+$0xFFFFFFF0 ss:$0x1] =	vst.idx.msk $0xffff, v7;
	s22 =	smov.u32 s21  }
0x4f: {  	v5 =	vld.idx.msk [tilespmem:v1+s22+$0x10 ss:$0x1], $0xffff;
	[tilespmem:v0+s22+$0x0 ss:$0x1] =	vst.idx.msk $0xffff, v8  }
0x50: {  	s21 =	sshra.s32 s23, $0x2;
	s23 =	sadd.s32 $0x200, s23;
	[tilespmem:v0+s22+$0xFFFFFF90 ss:$0x1] =	vst.idx.msk $0xffff, v9;
	v7 =	vld.idx.msk [tilespmem:v1+s22+$0x20 ss:$0x1], $0xffff  }
.Ltmp4:
0x51: {  	_ = 	snop;
	(pc) =	sbr.rel .LBB1_4-.Ltmp4, $1  }
0x52: {  	_ =	sdelay $0x3  }
.LBB1_6:
0x53: {  	_ =	sfence.sel $0x180000  }
0x54: {  	s2 =	simm.s32 $0x1;
	[bflag:$0x0] =	sbarrier.arrive $0xFFFF  }
0x55: {  	s31 =	simm.s32 $0x2;
	[sflag:s2] =	ssyncpa.u1 $0x1  }
0x56: {  	[sflag:s31] =	ssyncpa.u1 $0x1  }
0x57: {  	p0 =	sne.s32 s0, $0x0;
	_ =	strace $0x90000047  }
0x58: {  	s0 =	sadd.s32 @!p0 $0x100000, s1;
	[bflag:$0x2] =	sbarrier.arrive $0xFFFF  }
0x59: {  	[sflag:s0] =	ssyncadd.tile.s32 @!p0 $0x1;
	_ =	shalt  }
.Lfunc_end1:
_tile_overlayer_lowered:
.L_overlay_start_2:
0x5a: {  	(tag) =	ssettag $0x2  }
0x5b: {  	s0 =	rddreg [dreg:$0x0];
	s2 =	stileid.u32  }
0x5c: {  	s1 =	rddreg [dreg:$0x1];
	p0 =	sne.s32 s2, $0x0  }
0x5d: {  	s3 =	rddreg [dreg:$0x2];
	[bflag:$0x3] =	sbarrier.arrive $0xFFFF;
	s2 =	simm.s32 @!p0 $0x1C01  }
0x5e: {  	[timem:s3], [sflag:s2] =	dma.local @!p0 [hbm:s0], s1  }
0x5f: {  	s0 =	simm.s32 @!p0 $0x1  }
0x60: {  	_ =	swait.ge @!p0 [sflag:s0], s1  }
0x61: {  	s1 =	ssub.s32 @!p0 $0x0, s1;
	[sflag:s0] =	ssyncset.done @!p0 $0x0  }
0x62: {  	[sflag:s0] =	ssyncadd.s32 @!p0 s1  }
0x63: {  	[bflag:$0x3] =	sbarrier.arrive $0xFFFF  }
0x64: {  	_ =	shalt  }

// kernel: sparse-core-data-format-call.cloned.1.call-start
scs
called_computation_lowered:
.L_overlay_start_0:
0x0: {  	s2 =	sld [smem:$0x3FD9]  }
0x1: {  	s3 =	sld [smem:$0x3FFE];
	_ =	sdelay $0x1  }
0x2: {  	s1 =	srdreg.scid  }
0x3: {  	s0 =	sand.u32 $0x1, s1  }
0x4: {  	s18 =	sshll.u32 s0, $0xA;
	s2 =	sadd.s32 s3, s2  }
0x5: {  	s2 =	sadd.s32 s2, s18  }
0x6: {  	[smem:$0x3FB2] =	sst s2  }
0x7: {  	_ = 	snop  }
0x8: {  	s19 =	sld [smem:$0x3FC6];
	(tm) =	ssettm $0x1  }
0x9: {  	s20 =	sld [smem:$0x3FFB];
	_ =	sdelay $0x3  }
0xa: {  	_ =	strace s20  }
0xb: {  	s2 =	sld [smem:$0x3FFC];
	_ =	sdelay $0x3  }
0xc: {  	_ =	strace s2  }
0xd: {  	s2 =	sld [smem:$0x3FFD];
	_ =	sdelay $0x3  }
0xe: {  	_ =	strace s2  }
0xf: {  	_ =	strace $0x8FFFFFFF  }
0x10: {  	s21 =	sld [smem:$0x3FDB];
	_ =	sdelay $0x1  }
0x11: {  	s4 =	simm.s32 $_scs_section_size  }
0x12: {  	s5 =	simm.s32 $_size__tile_overlayer_lowered;
	s6 =	simm.s32 $_tile_overlayer_lowered  }
0x13: {  	s7 =	simm.s32 $0x1BFF;
	s22 =	sshll.u32 s6, $0x1;
	s4 =	sadd.s32 s4, s21  }
0x14: {  	s23 =	simm.s32 $0x0;
	s5 =	sshll.u32 s5, $0x1;
	s6 =	sadd.s32 s22, s4  }
0x15: {  	[timem:s23], [sflag:s7] =	dma.local [hbm:s6], s5  }
0x16: {  	_ =	swait.ge [sflag:s7], s5  }
0x17: {  	s5 =	ssub.s32 $0x0, s5;
	[sflag:s7] =	ssyncset.done $0x0  }
0x18: {  	[sflag:s7] =	ssyncadd.s32 s5;
	_ =	sdelay $0x1  }
0x19: {  	s24 =	simm.s32 $0x1B8B  }
0x1a: {  	_ =	swait.ge [sflag:s24], $0x1  }
0x1b: {  	[sflag:s24] =	ssyncset.done $0x0  }
0x1c: {  	[sflag:s24] =	ssyncadd.s32 $0xFFFFFFFF  }
0x1d: {  	s5 =	sld [smem:$0x0]  }
0x1e: {  	s6 =	sand.u32 $0xFFFFFFFE, s1  }
0x1f: {  	p0 =	sne.s32 s1, s6  }
0x20: {  	s6 =	sshll.u32 @p0 s6, $0xE  }
0x21: {  	s6 =	sadd.s32 @p0 $0x11B8D, s6;
	s7 =	sshll.u32 @p0 s5, $0x11  }
0x22: {  	s6 =	sor.u32 @p0 s7, s6  }
0x23: {  	[sflag:s6] =	ssyncadd.remote.s32 @p0 $0x1;
	_ =	sdelay $0x1  }
0x24: {  	s6 =	simm.s32 @p0 $0x1B8D  }
0x25: {  	_ =	swait.eq @p0 [sflag:s6], $0x1  }
0x26: {  	[sflag:s6] =	ssyncadd.s32 @p0 $0xFFFFFFFF  }
0x27: {  	s7 =	sshll.u32 @!p0 s1, $0xE  }
0x28: {  	s7 =	sor.u32 @!p0 $0x4000, s7;
	s6 =	simm.s32 @!p0 $0x1B8D  }
0x29: {  	s5 =	sshll.u32 @!p0 s5, $0x11;
	s7 =	sadd.s32 @!p0 $0x11B8D, s7;
	_ =	swait.eq @!p0 [sflag:s6], $0x1  }
0x2a: {  	s5 =	sor.u32 @!p0 s5, s7;
	[sflag:s6] =	ssyncadd.s32 @!p0 $0xFFFFFFFF  }
0x2b: {  	s26 =	simm.s32 $0x1B8E;
	s25 =	sld [smem:$0x3FFE];
	[sflag:s5] =	ssyncadd.remote.s32 @!p0 $0x1  }
0x2c: {  	s27 =	simm.s32 $execute0_lowered;
	[smem:$0x3FD2] =	sst s26  }
0x2d: {  	s6 =	sshll.u32 s27, $0x1;
	_ =	strace $0x80000049;
	[dreg:$0x1] =	wrdreg $0xFFFFFFFF  }
0x2e: {  	s28 =	simm.s32 $_size_execute0_lowered;
	s4 =	sadd.s32 s4, s6;
	[dreg:$0x0] =	wrdreg $0x0  }
0x2f: {  	s6 =	sshll.u32 s28, $0x1;
	[dreg:$0x2] =	wrdreg s4  }
0x30: {  	[dreg:$0x3] =	wrdreg s6  }
0x31: {  	[dreg:$0x4] =	wrdreg $0xC0  }
0x32: {  	_ =	task [dreg:s23], $0x5FFFF  }
0x33: {  	[dreg:$0x1] =	wrdreg $0xFFFFFFFF  }
0x34: {  	[dreg:$0x0] =	wrdreg $0x60  }
0x35: {  	[dreg:$0x2] =	wrdreg s19  }
0x36: {  	[dreg:$0x3] =	wrdreg s25  }
0x37: {  	[dreg:$0x4] =	wrdreg $0x9  }
0x38: {  	_ =	task.clear_ibuf [dreg:s23], $0x5FFFF;
	_ =	strace $0x90000049  }
0x39: {  	s29 =	simm.s32 $0x9;
	_ =	strace $0x8000004B  }
0x3a: {  	_ =	swait.ge [sflag:s29], $0x1  }
0x3b: {  	[sflag:s29] =	ssyncadd.s32 $0xFFFFFFFF  }
0x3c: {  	_ =	strace $0x9000004B  }
0x3d: {  	_ =	sfence  }
0x3e: {  	s30 =	sld [smem:$0x0];
	_ =	sdelay $0x2  }
0x3f: {  	s31 =	sshll.u32 s1, $0xD;
	s1 =	sshrl.u32 s1, $0x2  }
0x40: {  	s4 =	sand.u32 $0x4000, s31;
	s1 =	sadd.s32 s1, s30  }
0x41: {  	s0 =	sor.u32 s4, s0;
	s1 =	sshll.u32 s1, $0x11  }
0x42: {  	s0 =	sor.u32 s1, s0  }
0x43: {  	s0 =	sadd.s32 $0x8F2B, s0  }
0x44: {  	[sflag:s0] =	ssyncadd.remote.s32 $0x1  }
0x45: {  	_ =	sfence.sel $0xFFFF  }
0x46: {  	[dreg:$0x0] =	wrdreg $0xFFFFFFFF;
	(pc) =	sbr.abs _section_cstart, $3  }
0x47: {  	[dreg:$0x1] =	wrdreg $0xFFFFFFFF  }
0x48: {  	_ =	task.clear_ibuf [dreg:s23], $0x2FFFF;
	_ =	strace $0x9FFFFFFF  }
0x49: {  	(tm) =	ssettm $0x7FFFFFFF  }
tec
execute0_lowered:
.L_overlay_start_1:
0x0: {  	(tag) =	ssettag $0x1  }
0x1: {  	s0 =	stileid.u32;
	s3 =	rddreg [dreg:$0x0]  }
0x2: {  	s1 =	srdreg.scid;
	s6 =	rddreg [dreg:$0x1]  }
0x3: {  	s8 =	simm.s32 $0x2;
	s2 =	sshll.u32 s0, $0x4;
	s1 =	sshll.u32 s1, $0x8  }
0x4: {  	s16 =	simm.s32 $0x0;
	s9 =	simm.s32 $0x800;
	s1 =	sor.u32 s2, s1  }
0x5: {  	s10 =	simm.s32 $0x0;
	s17 =	simm.s32 $0x0;
	s2 =	sand.u32 $0x180, s1  }
0x6: {  	s19 =	simm.s32 $0x0;
	s18 =	simm.s32 $0x0;
	s1 =	ssub.s32 $0x400, s2  }
0x7: {  	s11 =	simm.s32 $0x0;
	s14 =	simm.s32 $0x0;
	s4 =	sand.u32 $0x180, s1  }
0x8: {  	s15 =	simm.s32 $0x0;
	p0 =	sne.s32 s4, $0x0;
	s4 =	simm.s32 $0x1  }
.Ltmp0:
0x9: {  	s5 =	sshrl.u32 s1, $0x9;
	s4 =	simm.s32 @!p0 $0x0;
	(pc) =	sbr.rel .LBB1_1-.Ltmp0, $4  }
0xa: {  	s7 =	sand.u32 $0x7, s0;
	s1 =	rddreg [dreg:$0x2];
	s5 =	sadd.s32 s4, s5  }
0xb: {  	_ =	strace $0x8000004A;
	s4 =	simm.s32 $0x1;
	s5 =	smul.u32 $0x32, s5  }
0xc: {  	s6 =	sadd.s32 $0x643000, s6;
	s13 =	smov.u32 s7;
	[sflag:s4] =	ssyncpa.u1 $0x0  }
0xd: {  	s12 =	smov.u32 s2;
	[sflag:s8] =	ssyncpa.u1 $0x0;
	s8 =	sor.u32 $0x1, s5  }
.LBB1_4:
0xe: {  	_ =	sdelay $0x3  }
0xf: {  	[tilespmem:v0+s22+$0xFFFFFFA0 ss:$0x1] =	vst.idx.msk $0xffff, v6  }
0x10: {  	v56 =	vld.idx.msk [tilespmem:v1+s21+$0x30 ss:$0x1], $0xffff;
	[tilespmem:v0+s22+$0xFFFFFFB0 ss:$0x1] =	vst.idx.msk $0xffff, v4  }
0x11: {  	v57 =	vld.idx.msk [tilespmem:v1+s21+$0xFFFFFFC0 ss:$0x1], $0xffff;
	[tilespmem:v0+s22+$0xFFFFFFC0 ss:$0x1] =	vst.idx.msk $0xffff, v2  }
0x12: {  	v58 =	vld.idx.msk [tilespmem:v1+s21+$0xFFFFFFD0 ss:$0x1], $0xffff;
	[tilespmem:v0+s22+$0xFFFFFFD0 ss:$0x1] =	vst.idx.msk $0xffff, v3  }
0x13: {  	v59 =	vld.idx.msk [tilespmem:v1+s21+$0xFFFFFFE0 ss:$0x1], $0xffff;
	[tilespmem:v0+s22+$0xFFFFFFE0 ss:$0x1] =	vst.idx.msk $0xffff, v5  }
0x14: {  	v60 =	vld.idx.msk [tilespmem:v1+s21+$0xFFFFFFF0 ss:$0x1], $0xffff;
	[tilespmem:v0+s22+$0xFFFFFFF0 ss:$0x1] =	vst.idx.msk $0xffff, v7  }
0x15: {  	v61 =	vld.idx.msk [tilespmem:v1+s21+$0x0 ss:$0x1], $0xffff;
	[tilespmem:v0+s21+$0x0 ss:$0x1] =	vst.idx.msk $0xffff, v56  }
0x16: {  	v62 =	vld.idx.msk [tilespmem:v1+s21+$0x10 ss:$0x1], $0xffff;
	[tilespmem:v0+s21+$0xFFFFFF90 ss:$0x1] =	vst.idx.msk $0xffff, v57  }
0x17: {  	s19 =	sshll.u32 s19, $0x7;
	v63 =	vld.idx.msk [tilespmem:v1+s21+$0x20 ss:$0x1], $0xffff;
	s29 =	sand.u32 $0x78, s16;
	[tilespmem:v0+s21+$0xFFFFFFA0 ss:$0x1] =	vst.idx.msk $0xffff, v58  }
0x18: {  	s30 =	sshll.u32 s16, $0x3;
	s18 =	sshll.u32 s18, $0x12;
	s19 =	sand.u32 $0x380, s19;
	[tilespmem:v0+s21+$0xFFFFFFB0 ss:$0x1] =	vst.idx.msk $0xffff, v59  }
0x19: {  	s17 =	sshll.u32 s17, $0x8;
	s22 =	sand.u32 $0x400, s30;
	s19 =	sor.u32 s29, s19;
	[tilespmem:v0+s21+$0xFFFFFFC0 ss:$0x1] =	vst.idx.msk $0xffff, v60  }
0x1a: {  	s31 =	sand.u32 $0x7, s16;
	s18 =	sadd.s32 s6, s18;
	s19 =	sor.u32 s22, s19;
	[tilespmem:v0+s21+$0xFFFFFFD0 ss:$0x1] =	vst.idx.msk $0xffff, v61  }
0x1b: {  	s16 =	sshll.u32 s31, $0x12;
	s17 =	sadd.s32 s17, s18;
	s19 =	sshrl.u32 s19, $0x3;
	[tilespmem:v0+s21+$0xFFFFFFE0 ss:$0x1] =	vst.idx.msk $0xffff, v62  }
0x1c: {  	s16 =	sor.u32 $0x80, s16;
	[tilespmem:v0+s21+$0xFFFFFFF0 ss:$0x1] =	vst.idx.msk $0xffff, v63;
	s17 =	sadd.s32 s19, s17  }
0x1d: {  	[hbm4b:s17+s16] =	stream.strided.scatter [tilespmem:s20], [sflag:$0x2], $0x4000, s9, s16, $0x38;
	[tilespmem:$0x10000] =	vst v63  }
.LBB1_5:
0x1e: {  	s20 =	sadd.s32 $0x80, s11  }
0x1f: {  	s16 =	sadd.s32 $0x200, s12;
	s21 =	smov.u32 s12;
	p1 =	sgt.s32 s20, $0xFF  }
0x20: {  	s21 =	smov.u32 @p1 s16  }
0x21: {  	s22 =	smov.u32 s13;
	s16 =	sadd.s32 $0x8, s13;
	p2 =	sgt.s32 s21, $0x3FF  }
0x22: {  	s22 =	smov.u32 @p2 s16  }
0x23: {  	s16 =	simm.s32 $0x1;
	p3 =	sgt.s32 s22, $0x7  }
0x24: {  	s16 =	simm.s32 @!p3 $0x0  }
0x25: {  	p0 =	slt.u32 s15, $0x2;
	s24 =	sadd.s32 s16, s14  }
0x26: {  	s17 =	smov.u32 s12;
	s20 =	simm.s32 @p1 $0x0;
	p1 =	sgt.s32 s24, $0x18  }
0x27: {  	s23 =	simm.s32 @!p0 $0x2;
	s24 =	simm.s32 @p1 $0x0;
	p1 =	sne.s32 s15, s8  }
.Ltmp1:
0x28: {  	s19 =	smov.u32 s13;
	_ =	swait.ge @!p0 [sflag:s23], $0x4000;
	(pc) =	sbr.rel @!p1 .LBB1_6-.Ltmp1, $4  }
0x29: {  	s18 =	smov.u32 s14;
	[sflag:s23] =	ssyncset.done @!p0 $0x0;
	s21 =	smov.u32 @p2 s2  }
0x2a: {  	s10 =	sadd.s32 $0x4000, s10;
	[sflag:s23] =	ssyncadd.s32 @!p0 $0xFFFFC000;
	s12 =	smov.u32 s21  }
0x2b: {  	s22 =	smov.u32 @p3 s7;
	s16 =	smov.u32 s11;
	s11 =	smov.u32 s20  }
0x2c: {  	s13 =	smov.u32 s22;
	s15 =	sadd.s32 $0x1, s15;
	s14 =	smov.u32 s24  }
.LBB1_1:
0x2d: {  	p0 =	sge.u32 s15, s5;
	s31 =	sadd.s32 $0xFFFFFFFF, s15  }
0x2e: {  	s20 =	sxor.u32 @!p0 $0xFFFFFFFF, s15;
	s21 =	sand.u32 @!p0 $0x78, s11;
	s22 =	sshll.u32 @!p0 s12, $0x8  }
0x2f: {  	s23 =	sshll.u32 @!p0 s11, $0x3;
	s24 =	sshll.u32 @!p0 s12, $0x7;
	s20 =	sshll.u32 @!p0 s20, $0xE  }
0x30: {  	s22 =	sand.u32 @!p0 $0x3F800, s22;
	s23 =	sand.u32 @!p0 $0x3FC00, s23;
	s20 =	sand.u32 @!p0 $0x4000, s20  }
0x31: {  	s22 =	sadd.s32 @!p0 s22, s23;
	s23 =	sand.u32 @!p0 $0x300, s24;
	s24 =	sand.u32 @!p0 $0x80, s24  }
0x32: {  	s22 =	sor.u32 @!p0 s23, s22;
	s21 =	sor.u32 @!p0 s21, s24;
	s23 =	sshll.u32 @!p0 s14, $0x12  }
0x33: {  	s24 =	sshll.u32 @!p0 s13, $0xF;
	s22 =	sshrl.u32 @!p0 s22, $0x3;
	s23 =	sadd.s32 @!p0 s3, s23  }
0x34: {  	s21 =	sshrl.u32 @!p0 s21, $0x3;
	s23 =	sadd.s32 @!p0 s24, s23;
	s24 =	sand.u32 @!p0 $0x7, s11  }
0x35: {  	s22 =	sand.u32 @!p0 $0x7FE0, s22;
	s21 =	sadd.s32 @!p0 s21, s23;
	s23 =	sshll.u32 @!p0 s24, $0x12  }
0x36: {  	s21 =	sadd.s32 @!p0 s22, s21;
	s22 =	sor.u32 @!p0 $0x400, s23;
	s23 =	simm.s32 @!p0 $0x800  }
0x37: {  	[tilespmem:s20], [sflag:$0x1] =	stream.strided.gather @!p0 [hbm4b:s21+s22], $0x4000, s23, s22, $0x38;
	[tilespmem:$0x10000] =	vst v63  }
0x38: {  	p0 =	sge.u32 s31, s5  }
.Ltmp2:
0x39: {  	_ = 	snop;
	(pc) =	sbr.rel @p0 .LBB1_5-.Ltmp2, $1  }
0x3a: {  	_ =	sdelay $0x3  }
0x3b: {  	s20 =	sand.u32 $0x4000, s10  }
0x3c: {  	s21 =	sor.u32 $0x40, s20  }
0x3d: {  	v1 =	vmov s21;
	_ =	sdelay $0x1  }
0x3e: {  	_ =	swait.ge [sflag:s4], $0x4000  }
0x3f: {  	[sflag:s4] =	ssyncset.done $0x0  }
0x40: {  	s22 =	simm.s32 $0x0;
	[sflag:s4] =	ssyncadd.s32 $0xFFFFC000  }
0x41: {  	s20 =	sor.u32 $0x8070, s20;
	v7 =	vld.idx.msk [tilespmem:v1+s22+$0x30 ss:$0x1], $0xffff  }
0x42: {  	v0 =	vmov s20;
	v8 =	vld.idx.msk [tilespmem:v1+s22+$0xFFFFFFC0 ss:$0x1], $0xffff  }
0x43: {  	v6 =	vld.idx.msk [tilespmem:v1+s22+$0xFFFFFFD0 ss:$0x1], $0xffff  }
0x44: {  	v4 =	vld.idx.msk [tilespmem:v1+s22+$0xFFFFFFE0 ss:$0x1], $0xffff  }
0x45: {  	v2 =	vld.idx.msk [tilespmem:v1+s22+$0xFFFFFFF0 ss:$0x1], $0xffff  }
0x46: {  	s31 =	sshll.u32 s15, $0xE;
	v3 =	vld.idx.msk [tilespmem:v1+s22+$0x0 ss:$0x1], $0xffff  }
0x47: {  	s20 =	sand.u32 $0x4000, s31;
	v5 =	vld.idx.msk [tilespmem:v1+s22+$0x10 ss:$0x1], $0xffff;
	[tilespmem:v0+s22+$0x0 ss:$0x1] =	vst.idx.msk $0xffff, v7  }
0x48: {  	s23 =	simm.s32 $0x400;
	s21 =	simm.s32 $0x80;
	s20 =	sor.u32 $0x8000, s20;
	[tilespmem:v0+s22+$0xFFFFFF90 ss:$0x1] =	vst.idx.msk $0xffff, v8;
	v7 =	vld.idx.msk [tilespmem:v1+s22+$0x20 ss:$0x1], $0xffff  }
.LBB1_3:
0x49: {  	p0 =	sne.s32 s23, $0xFE00;
	v8 =	vld.idx.msk [tilespmem:v1+s21+$0x30 ss:$0x1], $0xffff;
	[tilespmem:v0+s22+$0xFFFFFFA0 ss:$0x1] =	vst.idx.msk $0xffff, v6  }
0x4a: {  	v9 =	vld.idx.msk [tilespmem:v1+s21+$0xFFFFFFC0 ss:$0x1], $0xffff;
	[tilespmem:v0+s22+$0xFFFFFFB0 ss:$0x1] =	vst.idx.msk $0xffff, v4  }
0x4b: {  	v6 =	vld.idx.msk [tilespmem:v1+s21+$0xFFFFFFD0 ss:$0x1], $0xffff;
	[tilespmem:v0+s22+$0xFFFFFFC0 ss:$0x1] =	vst.idx.msk $0xffff, v2  }
.Ltmp3:
0x4c: {  	v4 =	vld.idx.msk [tilespmem:v1+s21+$0xFFFFFFE0 ss:$0x1], $0xffff;
	[tilespmem:v0+s22+$0xFFFFFFD0 ss:$0x1] =	vst.idx.msk $0xffff, v3;
	(pc) =	sbr.rel @p0 .LBB1_3-.Ltmp3, $4  }
0x4d: {  	v2 =	vld.idx.msk [tilespmem:v1+s21+$0xFFFFFFF0 ss:$0x1], $0xffff;
	[tilespmem:v0+s22+$0xFFFFFFE0 ss:$0x1] =	vst.idx.msk $0xffff, v5  }
0x4e: {  	v3 =	vld.idx.msk [tilespmem:v1+s21+$0x0 ss:$0x1], $0xffff;
	[tilespmem:v0+s22+$0xFFFFFFF0 ss:$0x1] =	vst.idx.msk $0xffff, v7;
	s22 =	smov.u32 s21  }
0x4f: {  	v5 =	vld.idx.msk [tilespmem:v1+s22+$0x10 ss:$0x1], $0xffff;
	[tilespmem:v0+s22+$0x0 ss:$0x1] =	vst.idx.msk $0xffff, v8  }
0x50: {  	s21 =	sshra.s32 s23, $0x2;
	s23 =	sadd.s32 $0x200, s23;
	[tilespmem:v0+s22+$0xFFFFFF90 ss:$0x1] =	vst.idx.msk $0xffff, v9;
	v7 =	vld.idx.msk [tilespmem:v1+s22+$0x20 ss:$0x1], $0xffff  }
.Ltmp4:
0x51: {  	_ = 	snop;
	(pc) =	sbr.rel .LBB1_4-.Ltmp4, $1  }
0x52: {  	_ =	sdelay $0x3  }
.LBB1_6:
0x53: {  	_ =	sfence.sel $0x180000  }
0x54: {  	s2 =	simm.s32 $0x1;
	[bflag:$0x0] =	sbarrier.arrive $0xFFFF  }
0x55: {  	s31 =	simm.s32 $0x2;
	[sflag:s2] =	ssyncpa.u1 $0x1  }
0x56: {  	[sflag:s31] =	ssyncpa.u1 $0x1  }
0x57: {  	p0 =	sne.s32 s0, $0x0;
	_ =	strace $0x9000004A  }
0x58: {  	s0 =	sadd.s32 @!p0 $0x100000, s1;
	[bflag:$0x2] =	sbarrier.arrive $0xFFFF  }
0x59: {  	[sflag:s0] =	ssyncadd.tile.s32 @!p0 $0x1;
	_ =	shalt  }
.Lfunc_end1:
_tile_overlayer_lowered:
.L_overlay_start_2:
0x5a: {  	(tag) =	ssettag $0x2  }
0x5b: {  	s0 =	rddreg [dreg:$0x0];
	s2 =	stileid.u32  }
0x5c: {  	s1 =	rddreg [dreg:$0x1];
	p0 =	sne.s32 s2, $0x0  }
0x5d: {  	s3 =	rddreg [dreg:$0x2];
	[bflag:$0x3] =	sbarrier.arrive $0xFFFF;
	s2 =	simm.s32 @!p0 $0x1C01  }
0x5e: {  	[timem:s3], [sflag:s2] =	dma.local @!p0 [hbm:s0], s1  }
0x5f: {  	s0 =	simm.s32 @!p0 $0x1  }
0x60: {  	_ =	swait.ge @!p0 [sflag:s0], s1  }
0x61: {  	s1 =	ssub.s32 @!p0 $0x0, s1;
	[sflag:s0] =	ssyncset.done @!p0 $0x0  }
0x62: {  	[sflag:s0] =	ssyncadd.s32 @!p0 s1  }
0x63: {  	[bflag:$0x3] =	sbarrier.arrive $0xFFFF  }
0x64: {  	_ =	shalt  }

</sc_bundles>
